<compile_context>
chip_gen: v7x
topology: tpu7x:2x2x1
jax: 0.10.2.dev20260603
libtpu: 0.0.44.dev20260713+nightly
codegen_flags: <defaults>
</compile_context>

<pallas_src>
import functools

import jax
import jax.numpy as jnp
from jax import lax
from jax.experimental import pallas as pl
from jax.experimental.pallas import tpu as pltpu
from jax.experimental.pallas import tpu_sc as plsc

N_NODES = 10000
N_EDGES = 160000
D = 16

NC = 2
NS = 16
NW = NC * NS
C = 256
U = 8
EW_PER = 5120
E_PAD = EW_PER * NW
NCH = EW_PER // C
N_PAD = 10240
ROWS_PT = N_PAD // NS


def _ew_body(ef_ref, w_ref, b_ref, out_ref):
    out_ref[...] = (
        jnp.dot(ef_ref[...], w_ref[...], preferred_element_type=jnp.float32,
                precision=lax.Precision.HIGHEST)
        + b_ref[...]
    )


def _ew_call(ef_packed, w_big, b_big):
    m = ef_packed.shape[0]
    blk = 2000
    grid = m // blk
    return pl.pallas_call(
        _ew_body,
        grid=(grid,),
        in_specs=[
            pl.BlockSpec((blk, 128), lambda i: (i, 0)),
            pl.BlockSpec((128, 128), lambda i: (0, 0)),
            pl.BlockSpec((1, 128), lambda i: (0, 0)),
        ],
        out_specs=pl.BlockSpec((blk, 128), lambda i: (i, 0)),
        out_shape=jax.ShapeDtypeStruct((m, 128), jnp.float32),
    )(ef_packed, w_big, b_big)


def _sc_body(h_hbm, ew_hbm, src_hbm, dst_hbm, zeros_hbm, out_hbm,
             src_all, dst_all, gath0, gath1, ewv0, ewv1, msg0, msg1, acc,
             sg0, sg1, se0, se1):
    cid = lax.axis_index("c")
    sid = lax.axis_index("s")
    wid = sid * NC + cid
    gath = (gath0, gath1)
    ewv = (ewv0, ewv1)
    msg = (msg0, msg1)
    sg = (sg0, sg1)
    se = (se0, se1)

    pltpu.sync_copy(zeros_hbm, acc.at[pl.ds(sid * ROWS_PT, ROWS_PT)])

    ebase = pl.multiple_of(wid * EW_PER, 8)
    pltpu.sync_copy(src_hbm.at[pl.ds(ebase, EW_PER)], src_all)
    pltpu.sync_copy(dst_hbm.at[pl.ds(ebase, EW_PER)], dst_all)

    one_hot = jnp.where(
        lax.broadcasted_iota(jnp.int32, (D,), 0) == 0, 1.0, 0.0
    ).astype(jnp.float32)

    def _init_row(i, _):
        msg0[i, pl.ds(D, D)] = one_hot
        msg1[i, pl.ds(D, D)] = one_hot
        return 0

    lax.fori_loop(0, C, _init_row, 0)
    plsc.subcore_barrier()

    wbase = wid * EW_PER

    def _issue(i, s):
        pltpu.async_copy(h_hbm.at[src_all.at[pl.ds(i * C, C)]], gath[s], sg[s])
        eoff = wbase + i * C
        woff = jnp.where(eoff >= N_EDGES, 0, eoff * D)
        woff = pl.multiple_of(woff, 8)
        pltpu.async_copy(ew_hbm.at[pl.ds(woff, C * D)], ewv[s], se[s])

    def _wait(s):
        pltpu.make_async_copy(h_hbm, gath[s], sg[s]).wait()
        pltpu.make_async_copy(ew_hbm, ewv[s], se[s]).wait()

    def _compute(s):
        g, e, m = gath[s], ewv[s], msg[s]

        def _rows(i, _):
            for u in range(U):
                r = i * U + u
                m[r, pl.ds(0, D)] = g[r, :] * e[pl.ds(i * U * D + u * D, D)]
            return 0

        lax.fori_loop(0, C // U, _rows, 0)

    def _scatter(i, s):
        pltpu.sync_copy(msg[s], acc.at[dst_all.at[pl.ds(i * C, C)]], add=True)

    _issue(0, 0)

    def _pair(j, _):
        i0 = 2 * j
        _issue(i0 + 1, 1)
        _wait(0)
        _compute(0)

        @pl.when(j < NCH // 2 - 1)
        def _():
            _issue(i0 + 2, 0)

        _scatter(i0, 0)
        _wait(1)
        _compute(1)

        @pl.when(j < NCH // 2 - 1)
        def _():
            _issue(i0 + 3, 1)

        _scatter(i0 + 1, 1)
        return 0

    lax.fori_loop(0, NCH // 2, _pair, 0)

    plsc.subcore_barrier()
    pltpu.sync_copy(
        acc.at[pl.ds(sid * ROWS_PT, ROWS_PT)],
        out_hbm.at[pl.ds(cid * N_PAD + sid * ROWS_PT, ROWS_PT)],
    )


_sc_call = functools.partial(
    pl.kernel,
    out_type=jax.ShapeDtypeStruct((NC * N_PAD, 2 * D), jnp.float32),
    mesh=plsc.VectorSubcoreMesh(core_axis_name="c", subcore_axis_name="s",
                                num_cores=NC, num_subcores=NS),
    scratch_types=[
        pltpu.VMEM((EW_PER,), jnp.int32),
        pltpu.VMEM((EW_PER,), jnp.int32),
        pltpu.VMEM((C, D), jnp.float32),
        pltpu.VMEM((C, D), jnp.float32),
        pltpu.VMEM((C * D,), jnp.float32),
        pltpu.VMEM((C * D,), jnp.float32),
        pltpu.VMEM((C, 2 * D), jnp.float32),
        pltpu.VMEM((C, 2 * D), jnp.float32),
        pltpu.VMEM_SHARED((N_PAD, 2 * D), jnp.float32),
        pltpu.SemaphoreType.DMA,
        pltpu.SemaphoreType.DMA,
        pltpu.SemaphoreType.DMA,
        pltpu.SemaphoreType.DMA,
    ],
    compiler_params=pltpu.CompilerParams(use_tc_tiling_on_sc=False),
)(_sc_body)


def _fin_body(p0_ref, p1_ref, h_ref, ws_ref, wn_ref, out_ref):
    s = p0_ref[...] + p1_ref[...]
    sums = s[:, :D]
    cnt = s[:, D:D + 1]
    agg = sums / jnp.maximum(cnt, 1.0)
    z = (
        jnp.dot(h_ref[...], ws_ref[...], preferred_element_type=jnp.float32,
                precision=lax.Precision.HIGHEST)
        + jnp.dot(agg, wn_ref[...], preferred_element_type=jnp.float32,
                  precision=lax.Precision.HIGHEST)
    )
    out_ref[...] = jnp.maximum(z, 0.0)


def _fin_call(p0, p1, h_self, wsT, wnT):
    blk = 2000
    grid = N_NODES // blk
    return pl.pallas_call(
        _fin_body,
        grid=(grid,),
        in_specs=[
            pl.BlockSpec((blk, 2 * D), lambda i: (i, 0)),
            pl.BlockSpec((blk, 2 * D), lambda i: (i, 0)),
            pl.BlockSpec((blk, D), lambda i: (i, 0)),
            pl.BlockSpec((D, D), lambda i: (0, 0)),
            pl.BlockSpec((D, D), lambda i: (0, 0)),
        ],
        out_specs=pl.BlockSpec((blk, D), lambda i: (i, 0)),
        out_shape=jax.ShapeDtypeStruct((N_NODES, D), jnp.float32),
    )(p0, p1, h_self, wsT, wnT)


def kernel(h_neigh, h_self, edge_features, W_self, W_neigh, W_edge, b_edge,
           edge_index):
    src = edge_index[0].astype(jnp.int32)
    dst = edge_index[1].astype(jnp.int32)
    src = jnp.pad(src, (0, E_PAD - N_EDGES))
    dst = jnp.pad(dst, (0, E_PAD - N_EDGES), constant_values=N_PAD - 1)

    w_red = W_edge.reshape(D, D, D).sum(axis=0)
    w_big = jnp.kron(jnp.eye(8, dtype=jnp.float32), w_red.T)
    b_big = jnp.tile(b_edge.reshape(D, D).sum(axis=0), 8).reshape(1, 128)

    ef_packed = edge_features.reshape(N_EDGES // 8, 128)
    ew_flat = _ew_call(ef_packed, w_big, b_big).reshape(N_EDGES * D)

    zeros = jnp.zeros((ROWS_PT, 2 * D), jnp.float32)
    part = _sc_call(h_neigh, ew_flat, src, dst, zeros)
    p0 = part[:N_NODES]
    p1 = part[N_PAD:N_PAD + N_NODES]

    return _fin_call(p0, p1, h_self, W_self.T, W_neigh.T)

# --- scband reference (transcript-rebuilt; emitter-appended) ---
"""Pipeline reference for scband-conv-layer-72310069396093 (READ-ONLY COPY).

The authoritative reference and input builder live on the scoring server;
editing this copy changes nothing except your own understanding.
"""

import jax, jax.numpy as jnp
import numpy as np

N_NODES = 10000
N_EDGES = 160000
D_IN_NEIGH = 16
D_IN_SELF = 16
D_OUT = 16
EDGE_DIM = 16


def setup_inputs(seed: int = 0) -> dict:
    key = jax.random.key(seed)
    ks = jax.random.split(key, 8)
    h_neigh = jax.random.normal(ks[0], (N_NODES, D_IN_NEIGH), dtype=jnp.float32)
    h_self = jax.random.normal(ks[1], (N_NODES, D_IN_SELF), dtype=jnp.float32)
    edge_features = jax.random.normal(ks[2], (N_EDGES, EDGE_DIM), dtype=jnp.float32)
    edge_index = jax.random.randint(ks[3], (2, N_EDGES), 0, N_NODES, dtype=jnp.int64)
    # learned parameters (torch.nn.Linear layout: W [out, in])
    W_self = jax.random.normal(ks[4], (D_OUT, D_IN_SELF), dtype=jnp.float32) / np.sqrt(D_IN_SELF)
    W_neigh = jax.random.normal(ks[5], (D_OUT, D_IN_NEIGH), dtype=jnp.float32) / np.sqrt(D_IN_NEIGH)
    W_edge = jax.random.normal(ks[6], (D_OUT * D_OUT, EDGE_DIM), dtype=jnp.float32) / np.sqrt(EDGE_DIM)
    b_edge = jax.random.normal(ks[7], (D_OUT * D_OUT,), dtype=jnp.float32) * 0.01
    return {"h_neigh": h_neigh, "h_self": h_self, "edge_features": edge_features,
            "W_self": W_self, "W_neigh": W_neigh, "W_edge": W_edge, "b_edge": b_edge,
            "edge_index": edge_index}


def reference(h_neigh, h_self, edge_features, W_self, W_neigh, W_edge, b_edge, edge_index):
    # dropout p=0.0 -> identity (eval mode)
    src = edge_index[0]
    dst = edge_index[1]
    # edge_fc: [E, edge_dim] -> [E, out*out] -> [E, out, out]
    edge_weights = (edge_features @ W_edge.T + b_edge).reshape(-1, D_OUT, D_OUT)
    # u_mul_e: per-edge broadcast of src feature [out] over rows of [out, out]
    m = h_neigh[src][:, None, :] * edge_weights  # [E, out, out]
    # fn.mean over incoming edges per dst node
    sums = jax.ops.segment_sum(m, dst, num_segments=N_NODES)
    cnt = jax.ops.segment_sum(jnp.ones((N_EDGES,), dtype=jnp.float32), dst, num_segments=N_NODES)
    neigh = sums / jnp.clip(cnt, 1.0, None)[:, None, None]  # [N, out, out]
    h_neigh_agg = neigh.sum(axis=1)  # [N, out]
    z = h_self @ W_self.T + h_neigh_agg @ W_neigh.T
    return jax.nn.relu(z)

if __name__ == "__main__":
    import jax
    _d = setup_inputs()
    print(jax.jit(kernel)(*tuple(_d.values())))

</pallas_src>

<mosaic_0001>
#map = affine_map<(d0, d1) -> (0, 0)>
#map1 = affine_map<(d0, d1) -> (0)>
module attributes {stable_mosaic.version = 14 : i64} {
  func.func @_sc_body(%arg0: i32, %arg1: i32, %arg2: memref<10000x16xf32, #tpu.memory_space<hbm>>, %arg3: memref<2560000xf32, #tpu.memory_space<hbm>>, %arg4: memref<163840xi32, #tpu.memory_space<hbm>>, %arg5: memref<163840xi32, #tpu.memory_space<hbm>>, %arg6: memref<640x32xf32, #tpu.memory_space<hbm>>, %arg7: memref<20480x32xf32, #tpu.memory_space<hbm>>, %arg8: memref<5120xi32, #tpu.memory_space<vmem>>, %arg9: memref<5120xi32, #tpu.memory_space<vmem>>, %arg10: memref<256x16xf32, #tpu.memory_space<vmem>>, %arg11: memref<256x16xf32, #tpu.memory_space<vmem>>, %arg12: memref<4096xf32, #tpu.memory_space<vmem>>, %arg13: memref<4096xf32, #tpu.memory_space<vmem>>, %arg14: memref<256x32xf32, #tpu.memory_space<vmem>>, %arg15: memref<256x32xf32, #tpu.memory_space<vmem>>, %arg16: memref<10240x32xf32, #tpu.memory_space<vmem_shared>>, %arg17: memref<!tpu.dma_semaphore, #tpu.memory_space<semaphore_mem>>, %arg18: memref<!tpu.dma_semaphore, #tpu.memory_space<semaphore_mem>>, %arg19: memref<!tpu.dma_semaphore, #tpu.memory_space<semaphore_mem>>, %arg20: memref<!tpu.dma_semaphore, #tpu.memory_space<semaphore_mem>>) attributes {dimension_semantics = [#tpu.dimension_semantics<core_parallel>, #tpu.dimension_semantics<subcore_parallel>], iteration_bounds = array<i64: 2, 16>, scalar_prefetch = 0 : i64, scratch_operands = 13 : i64, tpu.core_type = #tpu.core_type<sc_vector_subcore>, window_params = [{transform_indices = #map}, {transform_indices = #map1}, {transform_indices = #map1}, {transform_indices = #map1}, {transform_indices = #map}, {transform_indices = #map}]} {
    %mul3A = arith.constant 2 : i32
    %mul3A_0 = arith.muli %arg1, %mul3A : i32
    %add3A = arith.addi %mul3A_0, %arg0 : i32
    %mul3A_1 = arith.constant 640 : i32
    %mul3A_2 = arith.muli %arg1, %mul3A_1 : i32
    "tpu.region"() ({
      %run_scoped3A = tpu.sem_alloc : memref<!tpu.dma_semaphore, #tpu.memory_space<semaphore_mem>>
      %dma_start3A_46 = arith.constant 0 : i32
      %dma_start3A_47 = tpu.memref_slice %arg16[%mul3A_2, %dma_start3A_46] : memref<10240x32xf32, #tpu.memory_space<vmem_shared>> -> memref<640x32xf32, #tpu.memory_space<vmem_shared>>
      tpu.enqueue_dma source(%arg6 : memref<640x32xf32, #tpu.memory_space<hbm>>) target(%dma_start3A_47 : memref<640x32xf32, #tpu.memory_space<vmem_shared>>) target_semaphore(%run_scoped3A : memref<!tpu.dma_semaphore, #tpu.memory_space<semaphore_mem>>)
      %dma_wait3A = arith.constant 0 : i32
      %dma_wait3A_48 = tpu.memref_slice %arg16[%mul3A_2, %dma_wait3A] : memref<10240x32xf32, #tpu.memory_space<vmem_shared>> -> memref<640x32xf32, #tpu.memory_space<vmem_shared>>
      tpu.wait_dma2 semaphore(%run_scoped3A : memref<!tpu.dma_semaphore, #tpu.memory_space<semaphore_mem>>) src(%arg6 : memref<640x32xf32, #tpu.memory_space<hbm>>) dst(%dma_wait3A_48 : memref<640x32xf32, #tpu.memory_space<vmem_shared>>)
      tpu.yield
    }) : () -> ()
    %mul3A_3 = arith.constant 5120 : i32
    %mul3A_4 = arith.muli %add3A, %mul3A_3 : i32
    %multiple_of3A = tpu.assume_multiple %mul3A_4, 8 : i32
    "tpu.region"() ({
      %run_scoped3A = tpu.sem_alloc : memref<!tpu.dma_semaphore, #tpu.memory_space<semaphore_mem>>
      %dma_start3A_46 = tpu.memref_slice %arg4[%multiple_of3A] : memref<163840xi32, #tpu.memory_space<hbm>> -> memref<5120xi32, #tpu.memory_space<hbm>>
      %dma_start3A_47 = tpu.memref_slice %arg4[%multiple_of3A] : memref<163840xi32, #tpu.memory_space<hbm>> -> memref<5120xi32, #tpu.memory_space<hbm>>
      tpu.enqueue_dma source(%dma_start3A_47 : memref<5120xi32, #tpu.memory_space<hbm>>) target(%arg8 : memref<5120xi32, #tpu.memory_space<vmem>>) target_semaphore(%run_scoped3A : memref<!tpu.dma_semaphore, #tpu.memory_space<semaphore_mem>>)
      %dma_wait3A = tpu.memref_slice %arg4[%multiple_of3A] : memref<163840xi32, #tpu.memory_space<hbm>> -> memref<5120xi32, #tpu.memory_space<hbm>>
      %dma_wait3A_48 = tpu.memref_slice %arg4[%multiple_of3A] : memref<163840xi32, #tpu.memory_space<hbm>> -> memref<5120xi32, #tpu.memory_space<hbm>>
      tpu.wait_dma2 semaphore(%run_scoped3A : memref<!tpu.dma_semaphore, #tpu.memory_space<semaphore_mem>>) src(%dma_wait3A_48 : memref<5120xi32, #tpu.memory_space<hbm>>) dst(%arg8 : memref<5120xi32, #tpu.memory_space<vmem>>)
      tpu.yield
    }) : () -> ()
    "tpu.region"() ({
      %run_scoped3A = tpu.sem_alloc : memref<!tpu.dma_semaphore, #tpu.memory_space<semaphore_mem>>
      %dma_start3A_46 = tpu.memref_slice %arg5[%multiple_of3A] : memref<163840xi32, #tpu.memory_space<hbm>> -> memref<5120xi32, #tpu.memory_space<hbm>>
      %dma_start3A_47 = tpu.memref_slice %arg5[%multiple_of3A] : memref<163840xi32, #tpu.memory_space<hbm>> -> memref<5120xi32, #tpu.memory_space<hbm>>
      tpu.enqueue_dma source(%dma_start3A_47 : memref<5120xi32, #tpu.memory_space<hbm>>) target(%arg9 : memref<5120xi32, #tpu.memory_space<vmem>>) target_semaphore(%run_scoped3A : memref<!tpu.dma_semaphore, #tpu.memory_space<semaphore_mem>>)
      %dma_wait3A = tpu.memref_slice %arg5[%multiple_of3A] : memref<163840xi32, #tpu.memory_space<hbm>> -> memref<5120xi32, #tpu.memory_space<hbm>>
      %dma_wait3A_48 = tpu.memref_slice %arg5[%multiple_of3A] : memref<163840xi32, #tpu.memory_space<hbm>> -> memref<5120xi32, #tpu.memory_space<hbm>>
      tpu.wait_dma2 semaphore(%run_scoped3A : memref<!tpu.dma_semaphore, #tpu.memory_space<semaphore_mem>>) src(%dma_wait3A_48 : memref<5120xi32, #tpu.memory_space<hbm>>) dst(%arg9 : memref<5120xi32, #tpu.memory_space<vmem>>)
      tpu.yield
    }) : () -> ()
    %iota3A = tpu.iota {dimensions = array<i32: 0>} : vector<16xi32>
    %eq3A = arith.constant 0 : i32
    %eq3A_5 = vector.broadcast %eq3A : i32 to vector<16xi32>
    %eq3A_6 = arith.cmpi eq, %iota3A, %eq3A_5 : vector<16xi32>
    %jit3A = arith.constant 1.000000e+00 : f32
    %jit3A_7 = arith.constant 0.000000e+00 : f32
    %broadcast_in_dim3A = vector.broadcast %jit3A : f32 to vector<16xf32>
    %broadcast_in_dim3A_8 = vector.broadcast %jit3A_7 : f32 to vector<16xf32>
    %select_n3A = arith.select %eq3A_6, %broadcast_in_dim3A, %broadcast_in_dim3A_8 : vector<16xi1>, vector<16xf32>
    %scan3A = arith.constant 0 : i32
    %scan3A_9 = arith.constant 0 : i32
    %scan3A_10 = arith.constant 256 : i32
    %scan3A_11 = arith.addi %scan3A_9, %scan3A_10 : i32
    %scan3A_12 = arith.constant 1 : i32
    %scan3A_13 = scf.for %scan3A_46 = %scan3A_9 to %scan3A_11 step %scan3A_12 iter_args(%scan3A_47 = %scan3A) -> (i32)  : i32 {
      %swap3A = arith.index_cast %scan3A_46 : i32 to index
      %swap3A_48 = arith.constant 16 : index
      %swap3A_49 = tpu.vector_load %arg14[%swap3A, %swap3A_48] {strides = array<i32>} : memref<256x32xf32, #tpu.memory_space<vmem>>, vector<1x16xf32>,
      %swap3A_50 = vector.shape_cast %swap3A_49 : vector<1x16xf32> to vector<16xf32>
      %swap3A_51 = vector.shape_cast %select_n3A : vector<16xf32> to vector<1x16xf32>
      tpu.vector_store %arg14[%swap3A, %swap3A_48], %swap3A_51 {strides = array<i32>} : memref<256x32xf32, #tpu.memory_space<vmem>>, vector<1x16xf32>,
      %swap3A_52 = arith.index_cast %scan3A_46 : i32 to index
      %swap3A_53 = arith.constant 16 : index
      %swap3A_54 = tpu.vector_load %arg15[%swap3A_52, %swap3A_53] {strides = array<i32>} : memref<256x32xf32, #tpu.memory_space<vmem>>, vector<1x16xf32>,
      %swap3A_55 = vector.shape_cast %swap3A_54 : vector<1x16xf32> to vector<16xf32>
      %swap3A_56 = vector.shape_cast %select_n3A : vector<16xf32> to vector<1x16xf32>
      tpu.vector_store %arg15[%swap3A_52, %swap3A_53], %swap3A_56 {strides = array<i32>} : memref<256x32xf32, #tpu.memory_space<vmem>>, vector<1x16xf32>,
      %scan3A_57 = arith.constant 0 : i32
      scf.yield %scan3A_57 : i32
    }
    %scan3A_14 = arith.constant 256 : i32
    %barrier3A = arith.constant 0 : index
    tpu.barrier barrier_id(%barrier3A)
    %mul3A_15 = arith.constant 5120 : i32
    %mul3A_16 = arith.muli %add3A, %mul3A_15 : i32
    %dma_start3A = arith.constant 0 : i32
    %dma_start3A_17 = tpu.memref_slice %arg8[%dma_start3A] : memref<5120xi32, #tpu.memory_space<vmem>> -> memref<256xi32, #tpu.memory_space<vmem>>
    %dma_start3A_18 = arith.constant 0 : i32
    %dma_start3A_19 = arith.constant 0 : i32
    %dma_start3A_20 = tpu.memref_slice %arg2[%dma_start3A_18, %dma_start3A_19] : memref<10000x16xf32, #tpu.memory_space<hbm>> -> memref<10000x16xf32, #tpu.memory_space<hbm>>
    tpu.enqueue_indirect_dma source(%dma_start3A_20 : memref<10000x16xf32, #tpu.memory_space<hbm>>) target(%arg10 : memref<256x16xf32, #tpu.memory_space<vmem>>) offsets(%dma_start3A_17 : memref<256xi32, #tpu.memory_space<vmem>>) semaphore(%arg17 : memref<!tpu.dma_semaphore, #tpu.memory_space<semaphore_mem>>)
    %add3A_21 = arith.constant 0 : i32
    %add3A_22 = arith.addi %mul3A_16, %add3A_21 : i32
    %ge3A = arith.constant 160000 : i32
    %ge3A_23 = arith.cmpi sge, %add3A_22, %ge3A : i32
    %mul3A_24 = arith.constant 16 : i32
    %mul3A_25 = arith.muli %add3A_22, %mul3A_24 : i32
    %jit3A_26 = arith.constant 0 : i32
    %select_n3A_27 = arith.select %ge3A_23, %jit3A_26, %mul3A_25 : i32
    %multiple_of3A_28 = tpu.assume_multiple %select_n3A_27, 8 : i32
    %dma_start3A_29 = tpu.memref_slice %arg3[%multiple_of3A_28] : memref<2560000xf32, #tpu.memory_space<hbm>> -> memref<4096xf32, #tpu.memory_space<hbm>>
    %dma_start3A_30 = tpu.memref_slice %arg3[%multiple_of3A_28] : memref<2560000xf32, #tpu.memory_space<hbm>> -> memref<4096xf32, #tpu.memory_space<hbm>>
    tpu.enqueue_dma source(%dma_start3A_30 : memref<4096xf32, #tpu.memory_space<hbm>>) target(%arg12 : memref<4096xf32, #tpu.memory_space<vmem>>) target_semaphore(%arg19 : memref<!tpu.dma_semaphore, #tpu.memory_space<semaphore_mem>>)
    %scan3A_31 = arith.constant 0 : i32
    %scan3A_32 = arith.constant 0 : i32
    %scan3A_33 = arith.constant 10 : i32
    %scan3A_34 = arith.addi %scan3A_32, %scan3A_33 : i32
    %scan3A_35 = arith.constant 1 : i32
    %scan3A_36 = scf.for %scan3A_46 = %scan3A_32 to %scan3A_34 step %scan3A_35 iter_args(%scan3A_47 = %scan3A_31) -> (i32)  : i32 {
      %mul3A_48 = arith.constant 2 : i32
      %mul3A_49 = arith.muli %mul3A_48, %scan3A_46 : i32
      %add3A_50 = arith.constant 1 : i32
      %add3A_51 = arith.addi %mul3A_49, %add3A_50 : i32
      %mul3A_52 = arith.constant 256 : i32
      %mul3A_53 = arith.muli %add3A_51, %mul3A_52 : i32
      %dma_start3A_54 = tpu.memref_slice %arg8[%mul3A_53] : memref<5120xi32, #tpu.memory_space<vmem>> -> memref<256xi32, #tpu.memory_space<vmem>>
      %dma_start3A_55 = arith.constant 0 : i32
      %dma_start3A_56 = arith.constant 0 : i32
      %dma_start3A_57 = tpu.memref_slice %arg2[%dma_start3A_55, %dma_start3A_56] : memref<10000x16xf32, #tpu.memory_space<hbm>> -> memref<10000x16xf32, #tpu.memory_space<hbm>>
      tpu.enqueue_indirect_dma source(%dma_start3A_57 : memref<10000x16xf32, #tpu.memory_space<hbm>>) target(%arg11 : memref<256x16xf32, #tpu.memory_space<vmem>>) offsets(%dma_start3A_54 : memref<256xi32, #tpu.memory_space<vmem>>) semaphore(%arg18 : memref<!tpu.dma_semaphore, #tpu.memory_space<semaphore_mem>>)
      %mul3A_58 = arith.constant 256 : i32
      %mul3A_59 = arith.muli %add3A_51, %mul3A_58 : i32
      %add3A_60 = arith.addi %mul3A_16, %mul3A_59 : i32
      %ge3A_61 = arith.constant 160000 : i32
      %ge3A_62 = arith.cmpi sge, %add3A_60, %ge3A_61 : i32
      %mul3A_63 = arith.constant 16 : i32
      %mul3A_64 = arith.muli %add3A_60, %mul3A_63 : i32
      %jit3A_65 = arith.constant 0 : i32
      %select_n3A_66 = arith.select %ge3A_62, %jit3A_65, %mul3A_64 : i32
      %multiple_of3A_67 = tpu.assume_multiple %select_n3A_66, 8 : i32
      %dma_start3A_68 = tpu.memref_slice %arg3[%multiple_of3A_67] : memref<2560000xf32, #tpu.memory_space<hbm>> -> memref<4096xf32, #tpu.memory_space<hbm>>
      %dma_start3A_69 = tpu.memref_slice %arg3[%multiple_of3A_67] : memref<2560000xf32, #tpu.memory_space<hbm>> -> memref<4096xf32, #tpu.memory_space<hbm>>
      tpu.enqueue_dma source(%dma_start3A_69 : memref<4096xf32, #tpu.memory_space<hbm>>) target(%arg13 : memref<4096xf32, #tpu.memory_space<vmem>>) target_semaphore(%arg20 : memref<!tpu.dma_semaphore, #tpu.memory_space<semaphore_mem>>)
      tpu.wait_dma2 semaphore(%arg17 : memref<!tpu.dma_semaphore, #tpu.memory_space<semaphore_mem>>) src(%arg2 : memref<10000x16xf32, #tpu.memory_space<hbm>>) dst(%arg10 : memref<256x16xf32, #tpu.memory_space<vmem>>)
      tpu.wait_dma2 semaphore(%arg19 : memref<!tpu.dma_semaphore, #tpu.memory_space<semaphore_mem>>) src(%arg3 : memref<2560000xf32, #tpu.memory_space<hbm>>) dst(%arg12 : memref<4096xf32, #tpu.memory_space<vmem>>)
      %scan3A_70 = arith.constant 0 : i32
      %scan3A_71 = arith.constant 0 : i32
      %scan3A_72 = arith.constant 32 : i32
      %scan3A_73 = arith.addi %scan3A_71, %scan3A_72 : i32
      %scan3A_74 = arith.constant 1 : i32
      %scan3A_75 = scf.for %scan3A_98 = %scan3A_71 to %scan3A_73 step %scan3A_74 iter_args(%scan3A_99 = %scan3A_70) -> (i32)  : i32 {
        %mul3A_100 = arith.constant 8 : i32
        %mul3A_101 = arith.muli %scan3A_98, %mul3A_100 : i32
        %add3A_102 = arith.constant 0 : i32
        %add3A_103 = arith.addi %mul3A_101, %add3A_102 : i32
        %get3A = arith.index_cast %add3A_103 : i32 to index
        %get3A_104 = arith.constant 0 : index
        %get3A_105 = tpu.vector_load %arg10[%get3A, %get3A_104] {strides = array<i32>} : memref<256x16xf32, #tpu.memory_space<vmem>>, vector<1x16xf32>,
        %get3A_106 = vector.shape_cast %get3A_105 : vector<1x16xf32> to vector<16xf32>
        %mul3A_107 = arith.constant 8 : i32
        %mul3A_108 = arith.muli %scan3A_98, %mul3A_107 : i32
        %mul3A_109 = arith.constant 16 : i32
        %mul3A_110 = arith.muli %mul3A_108, %mul3A_109 : i32
        %add3A_111 = arith.constant 0 : i32
        %add3A_112 = arith.addi %mul3A_110, %add3A_111 : i32
        %get3A_113 = arith.index_cast %add3A_112 : i32 to index
        %get3A_114 = tpu.vector_load %arg12[%get3A_113] {strides = array<i32>} : memref<4096xf32, #tpu.memory_space<vmem>>, vector<16xf32>,
        %get3A_115 = vector.shape_cast %get3A_114 : vector<16xf32> to vector<16xf32>
        %mul3A_116 = arith.mulf %get3A_106, %get3A_115 : vector<16xf32>
        %swap3A = arith.index_cast %add3A_103 : i32 to index
        %swap3A_117 = arith.constant 0 : index
        %swap3A_118 = tpu.vector_load %arg14[%swap3A, %swap3A_117] {strides = array<i32>} : memref<256x32xf32, #tpu.memory_space<vmem>>, vector<1x16xf32>,
        %swap3A_119 = vector.shape_cast %swap3A_118 : vector<1x16xf32> to vector<16xf32>
        %swap3A_120 = vector.shape_cast %mul3A_116 : vector<16xf32> to vector<1x16xf32>
        tpu.vector_store %arg14[%swap3A, %swap3A_117], %swap3A_120 {strides = array<i32>} : memref<256x32xf32, #tpu.memory_space<vmem>>, vector<1x16xf32>,
        %mul3A_121 = arith.constant 8 : i32
        %mul3A_122 = arith.muli %scan3A_98, %mul3A_121 : i32
        %add3A_123 = arith.constant 1 : i32
        %add3A_124 = arith.addi %mul3A_122, %add3A_123 : i32
        %get3A_125 = arith.index_cast %add3A_124 : i32 to index
        %get3A_126 = arith.constant 0 : index
        %get3A_127 = tpu.vector_load %arg10[%get3A_125, %get3A_126] {strides = array<i32>} : memref<256x16xf32, #tpu.memory_space<vmem>>, vector<1x16xf32>,
        %get3A_128 = vector.shape_cast %get3A_127 : vector<1x16xf32> to vector<16xf32>
        %mul3A_129 = arith.constant 8 : i32
        %mul3A_130 = arith.muli %scan3A_98, %mul3A_129 : i32
        %mul3A_131 = arith.constant 16 : i32
        %mul3A_132 = arith.muli %mul3A_130, %mul3A_131 : i32
        %add3A_133 = arith.constant 16 : i32
        %add3A_134 = arith.addi %mul3A_132, %add3A_133 : i32
        %get3A_135 = arith.index_cast %add3A_134 : i32 to index
        %get3A_136 = tpu.vector_load %arg12[%get3A_135] {strides = array<i32>} : memref<4096xf32, #tpu.memory_space<vmem>>, vector<16xf32>,
        %get3A_137 = vector.shape_cast %get3A_136 : vector<16xf32> to vector<16xf32>
        %mul3A_138 = arith.mulf %get3A_128, %get3A_137 : vector<16xf32>
        %swap3A_139 = arith.index_cast %add3A_124 : i32 to index
        %swap3A_140 = arith.constant 0 : index
        %swap3A_141 = tpu.vector_load %arg14[%swap3A_139, %swap3A_140] {strides = array<i32>} : memref<256x32xf32, #tpu.memory_space<vmem>>, vector<1x16xf32>,
        %swap3A_142 = vector.shape_cast %swap3A_141 : vector<1x16xf32> to vector<16xf32>
        %swap3A_143 = vector.shape_cast %mul3A_138 : vector<16xf32> to vector<1x16xf32>
        tpu.vector_store %arg14[%swap3A_139, %swap3A_140], %swap3A_143 {strides = array<i32>} : memref<256x32xf32, #tpu.memory_space<vmem>>, vector<1x16xf32>,
        %mul3A_144 = arith.constant 8 : i32
        %mul3A_145 = arith.muli %scan3A_98, %mul3A_144 : i32
        %add3A_146 = arith.constant 2 : i32
        %add3A_147 = arith.addi %mul3A_145, %add3A_146 : i32
        %get3A_148 = arith.index_cast %add3A_147 : i32 to index
        %get3A_149 = arith.constant 0 : index
        %get3A_150 = tpu.vector_load %arg10[%get3A_148, %get3A_149] {strides = array<i32>} : memref<256x16xf32, #tpu.memory_space<vmem>>, vector<1x16xf32>,
        %get3A_151 = vector.shape_cast %get3A_150 : vector<1x16xf32> to vector<16xf32>
        %mul3A_152 = arith.constant 8 : i32
        %mul3A_153 = arith.muli %scan3A_98, %mul3A_152 : i32
        %mul3A_154 = arith.constant 16 : i32
        %mul3A_155 = arith.muli %mul3A_153, %mul3A_154 : i32
        %add3A_156 = arith.constant 32 : i32
        %add3A_157 = arith.addi %mul3A_155, %add3A_156 : i32
        %get3A_158 = arith.index_cast %add3A_157 : i32 to index
        %get3A_159 = tpu.vector_load %arg12[%get3A_158] {strides = array<i32>} : memref<4096xf32, #tpu.memory_space<vmem>>, vector<16xf32>,
        %get3A_160 = vector.shape_cast %get3A_159 : vector<16xf32> to vector<16xf32>
        %mul3A_161 = arith.mulf %get3A_151, %get3A_160 : vector<16xf32>
        %swap3A_162 = arith.index_cast %add3A_147 : i32 to index
        %swap3A_163 = arith.constant 0 : index
        %swap3A_164 = tpu.vector_load %arg14[%swap3A_162, %swap3A_163] {strides = array<i32>} : memref<256x32xf32, #tpu.memory_space<vmem>>, vector<1x16xf32>,
        %swap3A_165 = vector.shape_cast %swap3A_164 : vector<1x16xf32> to vector<16xf32>
        %swap3A_166 = vector.shape_cast %mul3A_161 : vector<16xf32> to vector<1x16xf32>
        tpu.vector_store %arg14[%swap3A_162, %swap3A_163], %swap3A_166 {strides = array<i32>} : memref<256x32xf32, #tpu.memory_space<vmem>>, vector<1x16xf32>,
        %mul3A_167 = arith.constant 8 : i32
        %mul3A_168 = arith.muli %scan3A_98, %mul3A_167 : i32
        %add3A_169 = arith.constant 3 : i32
        %add3A_170 = arith.addi %mul3A_168, %add3A_169 : i32
        %get3A_171 = arith.index_cast %add3A_170 : i32 to index
        %get3A_172 = arith.constant 0 : index
        %get3A_173 = tpu.vector_load %arg10[%get3A_171, %get3A_172] {strides = array<i32>} : memref<256x16xf32, #tpu.memory_space<vmem>>, vector<1x16xf32>,
        %get3A_174 = vector.shape_cast %get3A_173 : vector<1x16xf32> to vector<16xf32>
        %mul3A_175 = arith.constant 8 : i32
        %mul3A_176 = arith.muli %scan3A_98, %mul3A_175 : i32
        %mul3A_177 = arith.constant 16 : i32
        %mul3A_178 = arith.muli %mul3A_176, %mul3A_177 : i32
        %add3A_179 = arith.constant 48 : i32
        %add3A_180 = arith.addi %mul3A_178, %add3A_179 : i32
        %get3A_181 = arith.index_cast %add3A_180 : i32 to index
        %get3A_182 = tpu.vector_load %arg12[%get3A_181] {strides = array<i32>} : memref<4096xf32, #tpu.memory_space<vmem>>, vector<16xf32>,
        %get3A_183 = vector.shape_cast %get3A_182 : vector<16xf32> to vector<16xf32>
        %mul3A_184 = arith.mulf %get3A_174, %get3A_183 : vector<16xf32>
        %swap3A_185 = arith.index_cast %add3A_170 : i32 to index
        %swap3A_186 = arith.constant 0 : index
        %swap3A_187 = tpu.vector_load %arg14[%swap3A_185, %swap3A_186] {strides = array<i32>} : memref<256x32xf32, #tpu.memory_space<vmem>>, vector<1x16xf32>,
        %swap3A_188 = vector.shape_cast %swap3A_187 : vector<1x16xf32> to vector<16xf32>
        %swap3A_189 = vector.shape_cast %mul3A_184 : vector<16xf32> to vector<1x16xf32>
        tpu.vector_store %arg14[%swap3A_185, %swap3A_186], %swap3A_189 {strides = array<i32>} : memref<256x32xf32, #tpu.memory_space<vmem>>, vector<1x16xf32>,
        %mul3A_190 = arith.constant 8 : i32
        %mul3A_191 = arith.muli %scan3A_98, %mul3A_190 : i32
        %add3A_192 = arith.constant 4 : i32
        %add3A_193 = arith.addi %mul3A_191, %add3A_192 : i32
        %get3A_194 = arith.index_cast %add3A_193 : i32 to index
        %get3A_195 = arith.constant 0 : index
        %get3A_196 = tpu.vector_load %arg10[%get3A_194, %get3A_195] {strides = array<i32>} : memref<256x16xf32, #tpu.memory_space<vmem>>, vector<1x16xf32>,
        %get3A_197 = vector.shape_cast %get3A_196 : vector<1x16xf32> to vector<16xf32>
        %mul3A_198 = arith.constant 8 : i32
        %mul3A_199 = arith.muli %scan3A_98, %mul3A_198 : i32
        %mul3A_200 = arith.constant 16 : i32
        %mul3A_201 = arith.muli %mul3A_199, %mul3A_200 : i32
        %add3A_202 = arith.constant 64 : i32
        %add3A_203 = arith.addi %mul3A_201, %add3A_202 : i32
        %get3A_204 = arith.index_cast %add3A_203 : i32 to index
        %get3A_205 = tpu.vector_load %arg12[%get3A_204] {strides = array<i32>} : memref<4096xf32, #tpu.memory_space<vmem>>, vector<16xf32>,
        %get3A_206 = vector.shape_cast %get3A_205 : vector<16xf32> to vector<16xf32>
        %mul3A_207 = arith.mulf %get3A_197, %get3A_206 : vector<16xf32>
        %swap3A_208 = arith.index_cast %add3A_193 : i32 to index
        %swap3A_209 = arith.constant 0 : index
        %swap3A_210 = tpu.vector_load %arg14[%swap3A_208, %swap3A_209] {strides = array<i32>} : memref<256x32xf32, #tpu.memory_space<vmem>>, vector<1x16xf32>,
        %swap3A_211 = vector.shape_cast %swap3A_210 : vector<1x16xf32> to vector<16xf32>
        %swap3A_212 = vector.shape_cast %mul3A_207 : vector<16xf32> to vector<1x16xf32>
        tpu.vector_store %arg14[%swap3A_208, %swap3A_209], %swap3A_212 {strides = array<i32>} : memref<256x32xf32, #tpu.memory_space<vmem>>, vector<1x16xf32>,
        %mul3A_213 = arith.constant 8 : i32
        %mul3A_214 = arith.muli %scan3A_98, %mul3A_213 : i32
        %add3A_215 = arith.constant 5 : i32
        %add3A_216 = arith.addi %mul3A_214, %add3A_215 : i32
        %get3A_217 = arith.index_cast %add3A_216 : i32 to index
        %get3A_218 = arith.constant 0 : index
        %get3A_219 = tpu.vector_load %arg10[%get3A_217, %get3A_218] {strides = array<i32>} : memref<256x16xf32, #tpu.memory_space<vmem>>, vector<1x16xf32>,
        %get3A_220 = vector.shape_cast %get3A_219 : vector<1x16xf32> to vector<16xf32>
        %mul3A_221 = arith.constant 8 : i32
        %mul3A_222 = arith.muli %scan3A_98, %mul3A_221 : i32
        %mul3A_223 = arith.constant 16 : i32
        %mul3A_224 = arith.muli %mul3A_222, %mul3A_223 : i32
        %add3A_225 = arith.constant 80 : i32
        %add3A_226 = arith.addi %mul3A_224, %add3A_225 : i32
        %get3A_227 = arith.index_cast %add3A_226 : i32 to index
        %get3A_228 = tpu.vector_load %arg12[%get3A_227] {strides = array<i32>} : memref<4096xf32, #tpu.memory_space<vmem>>, vector<16xf32>,
        %get3A_229 = vector.shape_cast %get3A_228 : vector<16xf32> to vector<16xf32>
        %mul3A_230 = arith.mulf %get3A_220, %get3A_229 : vector<16xf32>
        %swap3A_231 = arith.index_cast %add3A_216 : i32 to index
        %swap3A_232 = arith.constant 0 : index
        %swap3A_233 = tpu.vector_load %arg14[%swap3A_231, %swap3A_232] {strides = array<i32>} : memref<256x32xf32, #tpu.memory_space<vmem>>, vector<1x16xf32>,
        %swap3A_234 = vector.shape_cast %swap3A_233 : vector<1x16xf32> to vector<16xf32>
        %swap3A_235 = vector.shape_cast %mul3A_230 : vector<16xf32> to vector<1x16xf32>
        tpu.vector_store %arg14[%swap3A_231, %swap3A_232], %swap3A_235 {strides = array<i32>} : memref<256x32xf32, #tpu.memory_space<vmem>>, vector<1x16xf32>,
        %mul3A_236 = arith.constant 8 : i32
        %mul3A_237 = arith.muli %scan3A_98, %mul3A_236 : i32
        %add3A_238 = arith.constant 6 : i32
        %add3A_239 = arith.addi %mul3A_237, %add3A_238 : i32
        %get3A_240 = arith.index_cast %add3A_239 : i32 to index
        %get3A_241 = arith.constant 0 : index
        %get3A_242 = tpu.vector_load %arg10[%get3A_240, %get3A_241] {strides = array<i32>} : memref<256x16xf32, #tpu.memory_space<vmem>>, vector<1x16xf32>,
        %get3A_243 = vector.shape_cast %get3A_242 : vector<1x16xf32> to vector<16xf32>
        %mul3A_244 = arith.constant 8 : i32
        %mul3A_245 = arith.muli %scan3A_98, %mul3A_244 : i32
        %mul3A_246 = arith.constant 16 : i32
        %mul3A_247 = arith.muli %mul3A_245, %mul3A_246 : i32
        %add3A_248 = arith.constant 96 : i32
        %add3A_249 = arith.addi %mul3A_247, %add3A_248 : i32
        %get3A_250 = arith.index_cast %add3A_249 : i32 to index
        %get3A_251 = tpu.vector_load %arg12[%get3A_250] {strides = array<i32>} : memref<4096xf32, #tpu.memory_space<vmem>>, vector<16xf32>,
        %get3A_252 = vector.shape_cast %get3A_251 : vector<16xf32> to vector<16xf32>
        %mul3A_253 = arith.mulf %get3A_243, %get3A_252 : vector<16xf32>
        %swap3A_254 = arith.index_cast %add3A_239 : i32 to index
        %swap3A_255 = arith.constant 0 : index
        %swap3A_256 = tpu.vector_load %arg14[%swap3A_254, %swap3A_255] {strides = array<i32>} : memref<256x32xf32, #tpu.memory_space<vmem>>, vector<1x16xf32>,
        %swap3A_257 = vector.shape_cast %swap3A_256 : vector<1x16xf32> to vector<16xf32>
        %swap3A_258 = vector.shape_cast %mul3A_253 : vector<16xf32> to vector<1x16xf32>
        tpu.vector_store %arg14[%swap3A_254, %swap3A_255], %swap3A_258 {strides = array<i32>} : memref<256x32xf32, #tpu.memory_space<vmem>>, vector<1x16xf32>,
        %mul3A_259 = arith.constant 8 : i32
        %mul3A_260 = arith.muli %scan3A_98, %mul3A_259 : i32
        %add3A_261 = arith.constant 7 : i32
        %add3A_262 = arith.addi %mul3A_260, %add3A_261 : i32
        %get3A_263 = arith.index_cast %add3A_262 : i32 to index
        %get3A_264 = arith.constant 0 : index
        %get3A_265 = tpu.vector_load %arg10[%get3A_263, %get3A_264] {strides = array<i32>} : memref<256x16xf32, #tpu.memory_space<vmem>>, vector<1x16xf32>,
        %get3A_266 = vector.shape_cast %get3A_265 : vector<1x16xf32> to vector<16xf32>
        %mul3A_267 = arith.constant 8 : i32
        %mul3A_268 = arith.muli %scan3A_98, %mul3A_267 : i32
        %mul3A_269 = arith.constant 16 : i32
        %mul3A_270 = arith.muli %mul3A_268, %mul3A_269 : i32
        %add3A_271 = arith.constant 112 : i32
        %add3A_272 = arith.addi %mul3A_270, %add3A_271 : i32
        %get3A_273 = arith.index_cast %add3A_272 : i32 to index
        %get3A_274 = tpu.vector_load %arg12[%get3A_273] {strides = array<i32>} : memref<4096xf32, #tpu.memory_space<vmem>>, vector<16xf32>,
        %get3A_275 = vector.shape_cast %get3A_274 : vector<16xf32> to vector<16xf32>
        %mul3A_276 = arith.mulf %get3A_266, %get3A_275 : vector<16xf32>
        %swap3A_277 = arith.index_cast %add3A_262 : i32 to index
        %swap3A_278 = arith.constant 0 : index
        %swap3A_279 = tpu.vector_load %arg14[%swap3A_277, %swap3A_278] {strides = array<i32>} : memref<256x32xf32, #tpu.memory_space<vmem>>, vector<1x16xf32>,
        %swap3A_280 = vector.shape_cast %swap3A_279 : vector<1x16xf32> to vector<16xf32>
        %swap3A_281 = vector.shape_cast %mul3A_276 : vector<16xf32> to vector<1x16xf32>
        tpu.vector_store %arg14[%swap3A_277, %swap3A_278], %swap3A_281 {strides = array<i32>} : memref<256x32xf32, #tpu.memory_space<vmem>>, vector<1x16xf32>,
        %scan3A_282 = arith.constant 0 : i32
        scf.yield %scan3A_282 : i32
      }
      %scan3A_76 = arith.constant 32 : i32
      %lt3A = arith.constant 9 : i32
      %lt3A_77 = arith.cmpi slt, %scan3A_46, %lt3A : i32
      %convert_element_type3A = arith.extui %lt3A_77 : i1 to i32
      %cond3A = arith.constant 0 : i32
      %cond3A_78 = arith.cmpi ne, %convert_element_type3A, %cond3A : i32
      scf.if %cond3A_78 {
        %add3A_98 = arith.constant 2 : i32
        %add3A_99 = arith.addi %mul3A_49, %add3A_98 : i32
        %mul3A_100 = arith.constant 256 : i32
        %mul3A_101 = arith.muli %add3A_99, %mul3A_100 : i32
        %dma_start3A_102 = tpu.memref_slice %arg8[%mul3A_101] : memref<5120xi32, #tpu.memory_space<vmem>> -> memref<256xi32, #tpu.memory_space<vmem>>
        %dma_start3A_103 = arith.constant 0 : i32
        %dma_start3A_104 = arith.constant 0 : i32
        %dma_start3A_105 = tpu.memref_slice %arg2[%dma_start3A_103, %dma_start3A_104] : memref<10000x16xf32, #tpu.memory_space<hbm>> -> memref<10000x16xf32, #tpu.memory_space<hbm>>
        tpu.enqueue_indirect_dma source(%dma_start3A_105 : memref<10000x16xf32, #tpu.memory_space<hbm>>) target(%arg10 : memref<256x16xf32, #tpu.memory_space<vmem>>) offsets(%dma_start3A_102 : memref<256xi32, #tpu.memory_space<vmem>>) semaphore(%arg17 : memref<!tpu.dma_semaphore, #tpu.memory_space<semaphore_mem>>)
        %mul3A_106 = arith.constant 256 : i32
        %mul3A_107 = arith.muli %add3A_99, %mul3A_106 : i32
        %add3A_108 = arith.addi %mul3A_16, %mul3A_107 : i32
        %ge3A_109 = arith.constant 160000 : i32
        %ge3A_110 = arith.cmpi sge, %add3A_108, %ge3A_109 : i32
        %mul3A_111 = arith.constant 16 : i32
        %mul3A_112 = arith.muli %add3A_108, %mul3A_111 : i32
        %jit3A_113 = arith.constant 0 : i32
        %select_n3A_114 = arith.select %ge3A_110, %jit3A_113, %mul3A_112 : i32
        %multiple_of3A_115 = tpu.assume_multiple %select_n3A_114, 8 : i32
        %dma_start3A_116 = tpu.memref_slice %arg3[%multiple_of3A_115] : memref<2560000xf32, #tpu.memory_space<hbm>> -> memref<4096xf32, #tpu.memory_space<hbm>>
        %dma_start3A_117 = tpu.memref_slice %arg3[%multiple_of3A_115] : memref<2560000xf32, #tpu.memory_space<hbm>> -> memref<4096xf32, #tpu.memory_space<hbm>>
        tpu.enqueue_dma source(%dma_start3A_117 : memref<4096xf32, #tpu.memory_space<hbm>>) target(%arg12 : memref<4096xf32, #tpu.memory_space<vmem>>) target_semaphore(%arg19 : memref<!tpu.dma_semaphore, #tpu.memory_space<semaphore_mem>>)
      } else {
      }
      %mul3A_79 = arith.constant 256 : i32
      %mul3A_80 = arith.muli %mul3A_49, %mul3A_79 : i32
      "tpu.region"() ({
        %run_scoped3A = tpu.sem_alloc : memref<!tpu.dma_semaphore, #tpu.memory_space<semaphore_mem>>
        %dma_start3A_98 = tpu.memref_slice %arg9[%mul3A_80] : memref<5120xi32, #tpu.memory_space<vmem>> -> memref<256xi32, #tpu.memory_space<vmem>>
        %dma_start3A_99 = arith.constant 0 : i32
        %dma_start3A_100 = arith.constant 0 : i32
        %dma_start3A_101 = tpu.memref_slice %arg16[%dma_start3A_99, %dma_start3A_100] : memref<10240x32xf32, #tpu.memory_space<vmem_shared>> -> memref<10240x32xf32, #tpu.memory_space<vmem_shared>>
        tpu.enqueue_indirect_dma source(%arg14 : memref<256x32xf32, #tpu.memory_space<vmem>>) target(%dma_start3A_101 : memref<10240x32xf32, #tpu.memory_space<vmem_shared>>) offsets(%dma_start3A_98 : memref<256xi32, #tpu.memory_space<vmem>>) semaphore(%run_scoped3A : memref<!tpu.dma_semaphore, #tpu.memory_space<semaphore_mem>>) {add = true}
        %dma_wait3A = tpu.memref_slice %arg9[%mul3A_80] : memref<5120xi32, #tpu.memory_space<vmem>> -> memref<256xi32, #tpu.memory_space<vmem>>
        %dma_wait3A_102 = arith.constant 0 : i32
        %dma_wait3A_103 = arith.constant 0 : i32
        %dma_wait3A_104 = tpu.memref_slice %arg16[%dma_wait3A_102, %dma_wait3A_103] : memref<10240x32xf32, #tpu.memory_space<vmem_shared>> -> memref<10240x32xf32, #tpu.memory_space<vmem_shared>>
        tpu.wait_indirect_dma semaphore(%run_scoped3A : memref<!tpu.dma_semaphore, #tpu.memory_space<semaphore_mem>>) src(%arg14 : memref<256x32xf32, #tpu.memory_space<vmem>>) dst(%dma_wait3A_104 : memref<10240x32xf32, #tpu.memory_space<vmem_shared>>)
        tpu.yield
      }) : () -> ()
      tpu.wait_dma2 semaphore(%arg18 : memref<!tpu.dma_semaphore, #tpu.memory_space<semaphore_mem>>) src(%arg2 : memref<10000x16xf32, #tpu.memory_space<hbm>>) dst(%arg11 : memref<256x16xf32, #tpu.memory_space<vmem>>)
      tpu.wait_dma2 semaphore(%arg20 : memref<!tpu.dma_semaphore, #tpu.memory_space<semaphore_mem>>) src(%arg3 : memref<2560000xf32, #tpu.memory_space<hbm>>) dst(%arg13 : memref<4096xf32, #tpu.memory_space<vmem>>)
      %scan3A_81 = arith.constant 0 : i32
      %scan3A_82 = arith.constant 0 : i32
      %scan3A_83 = arith.constant 32 : i32
      %scan3A_84 = arith.addi %scan3A_82, %scan3A_83 : i32
      %scan3A_85 = arith.constant 1 : i32
      %scan3A_86 = scf.for %scan3A_98 = %scan3A_82 to %scan3A_84 step %scan3A_85 iter_args(%scan3A_99 = %scan3A_81) -> (i32)  : i32 {
        %mul3A_100 = arith.constant 8 : i32
        %mul3A_101 = arith.muli %scan3A_98, %mul3A_100 : i32
        %add3A_102 = arith.constant 0 : i32
        %add3A_103 = arith.addi %mul3A_101, %add3A_102 : i32
        %get3A = arith.index_cast %add3A_103 : i32 to index
        %get3A_104 = arith.constant 0 : index
        %get3A_105 = tpu.vector_load %arg11[%get3A, %get3A_104] {strides = array<i32>} : memref<256x16xf32, #tpu.memory_space<vmem>>, vector<1x16xf32>,
        %get3A_106 = vector.shape_cast %get3A_105 : vector<1x16xf32> to vector<16xf32>
        %mul3A_107 = arith.constant 8 : i32
        %mul3A_108 = arith.muli %scan3A_98, %mul3A_107 : i32
        %mul3A_109 = arith.constant 16 : i32
        %mul3A_110 = arith.muli %mul3A_108, %mul3A_109 : i32
        %add3A_111 = arith.constant 0 : i32
        %add3A_112 = arith.addi %mul3A_110, %add3A_111 : i32
        %get3A_113 = arith.index_cast %add3A_112 : i32 to index
        %get3A_114 = tpu.vector_load %arg13[%get3A_113] {strides = array<i32>} : memref<4096xf32, #tpu.memory_space<vmem>>, vector<16xf32>,
        %get3A_115 = vector.shape_cast %get3A_114 : vector<16xf32> to vector<16xf32>
        %mul3A_116 = arith.mulf %get3A_106, %get3A_115 : vector<16xf32>
        %swap3A = arith.index_cast %add3A_103 : i32 to index
        %swap3A_117 = arith.constant 0 : index
        %swap3A_118 = tpu.vector_load %arg15[%swap3A, %swap3A_117] {strides = array<i32>} : memref<256x32xf32, #tpu.memory_space<vmem>>, vector<1x16xf32>,
        %swap3A_119 = vector.shape_cast %swap3A_118 : vector<1x16xf32> to vector<16xf32>
        %swap3A_120 = vector.shape_cast %mul3A_116 : vector<16xf32> to vector<1x16xf32>
        tpu.vector_store %arg15[%swap3A, %swap3A_117], %swap3A_120 {strides = array<i32>} : memref<256x32xf32, #tpu.memory_space<vmem>>, vector<1x16xf32>,
        %mul3A_121 = arith.constant 8 : i32
        %mul3A_122 = arith.muli %scan3A_98, %mul3A_121 : i32
        %add3A_123 = arith.constant 1 : i32
        %add3A_124 = arith.addi %mul3A_122, %add3A_123 : i32
        %get3A_125 = arith.index_cast %add3A_124 : i32 to index
        %get3A_126 = arith.constant 0 : index
        %get3A_127 = tpu.vector_load %arg11[%get3A_125, %get3A_126] {strides = array<i32>} : memref<256x16xf32, #tpu.memory_space<vmem>>, vector<1x16xf32>,
        %get3A_128 = vector.shape_cast %get3A_127 : vector<1x16xf32> to vector<16xf32>
        %mul3A_129 = arith.constant 8 : i32
        %mul3A_130 = arith.muli %scan3A_98, %mul3A_129 : i32
        %mul3A_131 = arith.constant 16 : i32
        %mul3A_132 = arith.muli %mul3A_130, %mul3A_131 : i32
        %add3A_133 = arith.constant 16 : i32
        %add3A_134 = arith.addi %mul3A_132, %add3A_133 : i32
        %get3A_135 = arith.index_cast %add3A_134 : i32 to index
        %get3A_136 = tpu.vector_load %arg13[%get3A_135] {strides = array<i32>} : memref<4096xf32, #tpu.memory_space<vmem>>, vector<16xf32>,
        %get3A_137 = vector.shape_cast %get3A_136 : vector<16xf32> to vector<16xf32>
        %mul3A_138 = arith.mulf %get3A_128, %get3A_137 : vector<16xf32>
        %swap3A_139 = arith.index_cast %add3A_124 : i32 to index
        %swap3A_140 = arith.constant 0 : index
        %swap3A_141 = tpu.vector_load %arg15[%swap3A_139, %swap3A_140] {strides = array<i32>} : memref<256x32xf32, #tpu.memory_space<vmem>>, vector<1x16xf32>,
        %swap3A_142 = vector.shape_cast %swap3A_141 : vector<1x16xf32> to vector<16xf32>
        %swap3A_143 = vector.shape_cast %mul3A_138 : vector<16xf32> to vector<1x16xf32>
        tpu.vector_store %arg15[%swap3A_139, %swap3A_140], %swap3A_143 {strides = array<i32>} : memref<256x32xf32, #tpu.memory_space<vmem>>, vector<1x16xf32>,
        %mul3A_144 = arith.constant 8 : i32
        %mul3A_145 = arith.muli %scan3A_98, %mul3A_144 : i32
        %add3A_146 = arith.constant 2 : i32
        %add3A_147 = arith.addi %mul3A_145, %add3A_146 : i32
        %get3A_148 = arith.index_cast %add3A_147 : i32 to index
        %get3A_149 = arith.constant 0 : index
        %get3A_150 = tpu.vector_load %arg11[%get3A_148, %get3A_149] {strides = array<i32>} : memref<256x16xf32, #tpu.memory_space<vmem>>, vector<1x16xf32>,
        %get3A_151 = vector.shape_cast %get3A_150 : vector<1x16xf32> to vector<16xf32>
        %mul3A_152 = arith.constant 8 : i32
        %mul3A_153 = arith.muli %scan3A_98, %mul3A_152 : i32
        %mul3A_154 = arith.constant 16 : i32
        %mul3A_155 = arith.muli %mul3A_153, %mul3A_154 : i32
        %add3A_156 = arith.constant 32 : i32
        %add3A_157 = arith.addi %mul3A_155, %add3A_156 : i32
        %get3A_158 = arith.index_cast %add3A_157 : i32 to index
        %get3A_159 = tpu.vector_load %arg13[%get3A_158] {strides = array<i32>} : memref<4096xf32, #tpu.memory_space<vmem>>, vector<16xf32>,
        %get3A_160 = vector.shape_cast %get3A_159 : vector<16xf32> to vector<16xf32>
        %mul3A_161 = arith.mulf %get3A_151, %get3A_160 : vector<16xf32>
        %swap3A_162 = arith.index_cast %add3A_147 : i32 to index
        %swap3A_163 = arith.constant 0 : index
        %swap3A_164 = tpu.vector_load %arg15[%swap3A_162, %swap3A_163] {strides = array<i32>} : memref<256x32xf32, #tpu.memory_space<vmem>>, vector<1x16xf32>,
        %swap3A_165 = vector.shape_cast %swap3A_164 : vector<1x16xf32> to vector<16xf32>
        %swap3A_166 = vector.shape_cast %mul3A_161 : vector<16xf32> to vector<1x16xf32>
        tpu.vector_store %arg15[%swap3A_162, %swap3A_163], %swap3A_166 {strides = array<i32>} : memref<256x32xf32, #tpu.memory_space<vmem>>, vector<1x16xf32>,
        %mul3A_167 = arith.constant 8 : i32
        %mul3A_168 = arith.muli %scan3A_98, %mul3A_167 : i32
        %add3A_169 = arith.constant 3 : i32
        %add3A_170 = arith.addi %mul3A_168, %add3A_169 : i32
        %get3A_171 = arith.index_cast %add3A_170 : i32 to index
        %get3A_172 = arith.constant 0 : index
        %get3A_173 = tpu.vector_load %arg11[%get3A_171, %get3A_172] {strides = array<i32>} : memref<256x16xf32, #tpu.memory_space<vmem>>, vector<1x16xf32>,
        %get3A_174 = vector.shape_cast %get3A_173 : vector<1x16xf32> to vector<16xf32>
        %mul3A_175 = arith.constant 8 : i32
        %mul3A_176 = arith.muli %scan3A_98, %mul3A_175 : i32
        %mul3A_177 = arith.constant 16 : i32
        %mul3A_178 = arith.muli %mul3A_176, %mul3A_177 : i32
        %add3A_179 = arith.constant 48 : i32
        %add3A_180 = arith.addi %mul3A_178, %add3A_179 : i32
        %get3A_181 = arith.index_cast %add3A_180 : i32 to index
        %get3A_182 = tpu.vector_load %arg13[%get3A_181] {strides = array<i32>} : memref<4096xf32, #tpu.memory_space<vmem>>, vector<16xf32>,
        %get3A_183 = vector.shape_cast %get3A_182 : vector<16xf32> to vector<16xf32>
        %mul3A_184 = arith.mulf %get3A_174, %get3A_183 : vector<16xf32>
        %swap3A_185 = arith.index_cast %add3A_170 : i32 to index
        %swap3A_186 = arith.constant 0 : index
        %swap3A_187 = tpu.vector_load %arg15[%swap3A_185, %swap3A_186] {strides = array<i32>} : memref<256x32xf32, #tpu.memory_space<vmem>>, vector<1x16xf32>,
        %swap3A_188 = vector.shape_cast %swap3A_187 : vector<1x16xf32> to vector<16xf32>
        %swap3A_189 = vector.shape_cast %mul3A_184 : vector<16xf32> to vector<1x16xf32>
        tpu.vector_store %arg15[%swap3A_185, %swap3A_186], %swap3A_189 {strides = array<i32>} : memref<256x32xf32, #tpu.memory_space<vmem>>, vector<1x16xf32>,
        %mul3A_190 = arith.constant 8 : i32
        %mul3A_191 = arith.muli %scan3A_98, %mul3A_190 : i32
        %add3A_192 = arith.constant 4 : i32
        %add3A_193 = arith.addi %mul3A_191, %add3A_192 : i32
        %get3A_194 = arith.index_cast %add3A_193 : i32 to index
        %get3A_195 = arith.constant 0 : index
        %get3A_196 = tpu.vector_load %arg11[%get3A_194, %get3A_195] {strides = array<i32>} : memref<256x16xf32, #tpu.memory_space<vmem>>, vector<1x16xf32>,
        %get3A_197 = vector.shape_cast %get3A_196 : vector<1x16xf32> to vector<16xf32>
        %mul3A_198 = arith.constant 8 : i32
        %mul3A_199 = arith.muli %scan3A_98, %mul3A_198 : i32
        %mul3A_200 = arith.constant 16 : i32
        %mul3A_201 = arith.muli %mul3A_199, %mul3A_200 : i32
        %add3A_202 = arith.constant 64 : i32
        %add3A_203 = arith.addi %mul3A_201, %add3A_202 : i32
        %get3A_204 = arith.index_cast %add3A_203 : i32 to index
        %get3A_205 = tpu.vector_load %arg13[%get3A_204] {strides = array<i32>} : memref<4096xf32, #tpu.memory_space<vmem>>, vector<16xf32>,
        %get3A_206 = vector.shape_cast %get3A_205 : vector<16xf32> to vector<16xf32>
        %mul3A_207 = arith.mulf %get3A_197, %get3A_206 : vector<16xf32>
        %swap3A_208 = arith.index_cast %add3A_193 : i32 to index
        %swap3A_209 = arith.constant 0 : index
        %swap3A_210 = tpu.vector_load %arg15[%swap3A_208, %swap3A_209] {strides = array<i32>} : memref<256x32xf32, #tpu.memory_space<vmem>>, vector<1x16xf32>,
        %swap3A_211 = vector.shape_cast %swap3A_210 : vector<1x16xf32> to vector<16xf32>
        %swap3A_212 = vector.shape_cast %mul3A_207 : vector<16xf32> to vector<1x16xf32>
        tpu.vector_store %arg15[%swap3A_208, %swap3A_209], %swap3A_212 {strides = array<i32>} : memref<256x32xf32, #tpu.memory_space<vmem>>, vector<1x16xf32>,
        %mul3A_213 = arith.constant 8 : i32
        %mul3A_214 = arith.muli %scan3A_98, %mul3A_213 : i32
        %add3A_215 = arith.constant 5 : i32
        %add3A_216 = arith.addi %mul3A_214, %add3A_215 : i32
        %get3A_217 = arith.index_cast %add3A_216 : i32 to index
        %get3A_218 = arith.constant 0 : index
        %get3A_219 = tpu.vector_load %arg11[%get3A_217, %get3A_218] {strides = array<i32>} : memref<256x16xf32, #tpu.memory_space<vmem>>, vector<1x16xf32>,
        %get3A_220 = vector.shape_cast %get3A_219 : vector<1x16xf32> to vector<16xf32>
        %mul3A_221 = arith.constant 8 : i32
        %mul3A_222 = arith.muli %scan3A_98, %mul3A_221 : i32
        %mul3A_223 = arith.constant 16 : i32
        %mul3A_224 = arith.muli %mul3A_222, %mul3A_223 : i32
        %add3A_225 = arith.constant 80 : i32
        %add3A_226 = arith.addi %mul3A_224, %add3A_225 : i32
        %get3A_227 = arith.index_cast %add3A_226 : i32 to index
        %get3A_228 = tpu.vector_load %arg13[%get3A_227] {strides = array<i32>} : memref<4096xf32, #tpu.memory_space<vmem>>, vector<16xf32>,
        %get3A_229 = vector.shape_cast %get3A_228 : vector<16xf32> to vector<16xf32>
        %mul3A_230 = arith.mulf %get3A_220, %get3A_229 : vector<16xf32>
        %swap3A_231 = arith.index_cast %add3A_216 : i32 to index
        %swap3A_232 = arith.constant 0 : index
        %swap3A_233 = tpu.vector_load %arg15[%swap3A_231, %swap3A_232] {strides = array<i32>} : memref<256x32xf32, #tpu.memory_space<vmem>>, vector<1x16xf32>,
        %swap3A_234 = vector.shape_cast %swap3A_233 : vector<1x16xf32> to vector<16xf32>
        %swap3A_235 = vector.shape_cast %mul3A_230 : vector<16xf32> to vector<1x16xf32>
        tpu.vector_store %arg15[%swap3A_231, %swap3A_232], %swap3A_235 {strides = array<i32>} : memref<256x32xf32, #tpu.memory_space<vmem>>, vector<1x16xf32>,
        %mul3A_236 = arith.constant 8 : i32
        %mul3A_237 = arith.muli %scan3A_98, %mul3A_236 : i32
        %add3A_238 = arith.constant 6 : i32
        %add3A_239 = arith.addi %mul3A_237, %add3A_238 : i32
        %get3A_240 = arith.index_cast %add3A_239 : i32 to index
        %get3A_241 = arith.constant 0 : index
        %get3A_242 = tpu.vector_load %arg11[%get3A_240, %get3A_241] {strides = array<i32>} : memref<256x16xf32, #tpu.memory_space<vmem>>, vector<1x16xf32>,
        %get3A_243 = vector.shape_cast %get3A_242 : vector<1x16xf32> to vector<16xf32>
        %mul3A_244 = arith.constant 8 : i32
        %mul3A_245 = arith.muli %scan3A_98, %mul3A_244 : i32
        %mul3A_246 = arith.constant 16 : i32
        %mul3A_247 = arith.muli %mul3A_245, %mul3A_246 : i32
        %add3A_248 = arith.constant 96 : i32
        %add3A_249 = arith.addi %mul3A_247, %add3A_248 : i32
        %get3A_250 = arith.index_cast %add3A_249 : i32 to index
        %get3A_251 = tpu.vector_load %arg13[%get3A_250] {strides = array<i32>} : memref<4096xf32, #tpu.memory_space<vmem>>, vector<16xf32>,
        %get3A_252 = vector.shape_cast %get3A_251 : vector<16xf32> to vector<16xf32>
        %mul3A_253 = arith.mulf %get3A_243, %get3A_252 : vector<16xf32>
        %swap3A_254 = arith.index_cast %add3A_239 : i32 to index
        %swap3A_255 = arith.constant 0 : index
        %swap3A_256 = tpu.vector_load %arg15[%swap3A_254, %swap3A_255] {strides = array<i32>} : memref<256x32xf32, #tpu.memory_space<vmem>>, vector<1x16xf32>,
        %swap3A_257 = vector.shape_cast %swap3A_256 : vector<1x16xf32> to vector<16xf32>
        %swap3A_258 = vector.shape_cast %mul3A_253 : vector<16xf32> to vector<1x16xf32>
        tpu.vector_store %arg15[%swap3A_254, %swap3A_255], %swap3A_258 {strides = array<i32>} : memref<256x32xf32, #tpu.memory_space<vmem>>, vector<1x16xf32>,
        %mul3A_259 = arith.constant 8 : i32
        %mul3A_260 = arith.muli %scan3A_98, %mul3A_259 : i32
        %add3A_261 = arith.constant 7 : i32
        %add3A_262 = arith.addi %mul3A_260, %add3A_261 : i32
        %get3A_263 = arith.index_cast %add3A_262 : i32 to index
        %get3A_264 = arith.constant 0 : index
        %get3A_265 = tpu.vector_load %arg11[%get3A_263, %get3A_264] {strides = array<i32>} : memref<256x16xf32, #tpu.memory_space<vmem>>, vector<1x16xf32>,
        %get3A_266 = vector.shape_cast %get3A_265 : vector<1x16xf32> to vector<16xf32>
        %mul3A_267 = arith.constant 8 : i32
        %mul3A_268 = arith.muli %scan3A_98, %mul3A_267 : i32
        %mul3A_269 = arith.constant 16 : i32
        %mul3A_270 = arith.muli %mul3A_268, %mul3A_269 : i32
        %add3A_271 = arith.constant 112 : i32
        %add3A_272 = arith.addi %mul3A_270, %add3A_271 : i32
        %get3A_273 = arith.index_cast %add3A_272 : i32 to index
        %get3A_274 = tpu.vector_load %arg13[%get3A_273] {strides = array<i32>} : memref<4096xf32, #tpu.memory_space<vmem>>, vector<16xf32>,
        %get3A_275 = vector.shape_cast %get3A_274 : vector<16xf32> to vector<16xf32>
        %mul3A_276 = arith.mulf %get3A_266, %get3A_275 : vector<16xf32>
        %swap3A_277 = arith.index_cast %add3A_262 : i32 to index
        %swap3A_278 = arith.constant 0 : index
        %swap3A_279 = tpu.vector_load %arg15[%swap3A_277, %swap3A_278] {strides = array<i32>} : memref<256x32xf32, #tpu.memory_space<vmem>>, vector<1x16xf32>,
        %swap3A_280 = vector.shape_cast %swap3A_279 : vector<1x16xf32> to vector<16xf32>
        %swap3A_281 = vector.shape_cast %mul3A_276 : vector<16xf32> to vector<1x16xf32>
        tpu.vector_store %arg15[%swap3A_277, %swap3A_278], %swap3A_281 {strides = array<i32>} : memref<256x32xf32, #tpu.memory_space<vmem>>, vector<1x16xf32>,
        %scan3A_282 = arith.constant 0 : i32
        scf.yield %scan3A_282 : i32
      }
      %scan3A_87 = arith.constant 32 : i32
      %lt3A_88 = arith.constant 9 : i32
      %lt3A_89 = arith.cmpi slt, %scan3A_46, %lt3A_88 : i32
      %convert_element_type3A_90 = arith.extui %lt3A_89 : i1 to i32
      %cond3A_91 = arith.constant 0 : i32
      %cond3A_92 = arith.cmpi ne, %convert_element_type3A_90, %cond3A_91 : i32
      scf.if %cond3A_92 {
        %add3A_98 = arith.constant 3 : i32
        %add3A_99 = arith.addi %mul3A_49, %add3A_98 : i32
        %mul3A_100 = arith.constant 256 : i32
        %mul3A_101 = arith.muli %add3A_99, %mul3A_100 : i32
        %dma_start3A_102 = tpu.memref_slice %arg8[%mul3A_101] : memref<5120xi32, #tpu.memory_space<vmem>> -> memref<256xi32, #tpu.memory_space<vmem>>
        %dma_start3A_103 = arith.constant 0 : i32
        %dma_start3A_104 = arith.constant 0 : i32
        %dma_start3A_105 = tpu.memref_slice %arg2[%dma_start3A_103, %dma_start3A_104] : memref<10000x16xf32, #tpu.memory_space<hbm>> -> memref<10000x16xf32, #tpu.memory_space<hbm>>
        tpu.enqueue_indirect_dma source(%dma_start3A_105 : memref<10000x16xf32, #tpu.memory_space<hbm>>) target(%arg11 : memref<256x16xf32, #tpu.memory_space<vmem>>) offsets(%dma_start3A_102 : memref<256xi32, #tpu.memory_space<vmem>>) semaphore(%arg18 : memref<!tpu.dma_semaphore, #tpu.memory_space<semaphore_mem>>)
        %mul3A_106 = arith.constant 256 : i32
        %mul3A_107 = arith.muli %add3A_99, %mul3A_106 : i32
        %add3A_108 = arith.addi %mul3A_16, %mul3A_107 : i32
        %ge3A_109 = arith.constant 160000 : i32
        %ge3A_110 = arith.cmpi sge, %add3A_108, %ge3A_109 : i32
        %mul3A_111 = arith.constant 16 : i32
        %mul3A_112 = arith.muli %add3A_108, %mul3A_111 : i32
        %jit3A_113 = arith.constant 0 : i32
        %select_n3A_114 = arith.select %ge3A_110, %jit3A_113, %mul3A_112 : i32
        %multiple_of3A_115 = tpu.assume_multiple %select_n3A_114, 8 : i32
        %dma_start3A_116 = tpu.memref_slice %arg3[%multiple_of3A_115] : memref<2560000xf32, #tpu.memory_space<hbm>> -> memref<4096xf32, #tpu.memory_space<hbm>>
        %dma_start3A_117 = tpu.memref_slice %arg3[%multiple_of3A_115] : memref<2560000xf32, #tpu.memory_space<hbm>> -> memref<4096xf32, #tpu.memory_space<hbm>>
        tpu.enqueue_dma source(%dma_start3A_117 : memref<4096xf32, #tpu.memory_space<hbm>>) target(%arg13 : memref<4096xf32, #tpu.memory_space<vmem>>) target_semaphore(%arg20 : memref<!tpu.dma_semaphore, #tpu.memory_space<semaphore_mem>>)
      } else {
      }
      %add3A_93 = arith.constant 1 : i32
      %add3A_94 = arith.addi %mul3A_49, %add3A_93 : i32
      %mul3A_95 = arith.constant 256 : i32
      %mul3A_96 = arith.muli %add3A_94, %mul3A_95 : i32
      "tpu.region"() ({
        %run_scoped3A = tpu.sem_alloc : memref<!tpu.dma_semaphore, #tpu.memory_space<semaphore_mem>>
        %dma_start3A_98 = tpu.memref_slice %arg9[%mul3A_96] : memref<5120xi32, #tpu.memory_space<vmem>> -> memref<256xi32, #tpu.memory_space<vmem>>
        %dma_start3A_99 = arith.constant 0 : i32
        %dma_start3A_100 = arith.constant 0 : i32
        %dma_start3A_101 = tpu.memref_slice %arg16[%dma_start3A_99, %dma_start3A_100] : memref<10240x32xf32, #tpu.memory_space<vmem_shared>> -> memref<10240x32xf32, #tpu.memory_space<vmem_shared>>
        tpu.enqueue_indirect_dma source(%arg15 : memref<256x32xf32, #tpu.memory_space<vmem>>) target(%dma_start3A_101 : memref<10240x32xf32, #tpu.memory_space<vmem_shared>>) offsets(%dma_start3A_98 : memref<256xi32, #tpu.memory_space<vmem>>) semaphore(%run_scoped3A : memref<!tpu.dma_semaphore, #tpu.memory_space<semaphore_mem>>) {add = true}
        %dma_wait3A = tpu.memref_slice %arg9[%mul3A_96] : memref<5120xi32, #tpu.memory_space<vmem>> -> memref<256xi32, #tpu.memory_space<vmem>>
        %dma_wait3A_102 = arith.constant 0 : i32
        %dma_wait3A_103 = arith.constant 0 : i32
        %dma_wait3A_104 = tpu.memref_slice %arg16[%dma_wait3A_102, %dma_wait3A_103] : memref<10240x32xf32, #tpu.memory_space<vmem_shared>> -> memref<10240x32xf32, #tpu.memory_space<vmem_shared>>
        tpu.wait_indirect_dma semaphore(%run_scoped3A : memref<!tpu.dma_semaphore, #tpu.memory_space<semaphore_mem>>) src(%arg15 : memref<256x32xf32, #tpu.memory_space<vmem>>) dst(%dma_wait3A_104 : memref<10240x32xf32, #tpu.memory_space<vmem_shared>>)
        tpu.yield
      }) : () -> ()
      %scan3A_97 = arith.constant 0 : i32
      scf.yield %scan3A_97 : i32
    }
    %scan3A_37 = arith.constant 10 : i32
    %barrier3A_38 = arith.constant 0 : index
    tpu.barrier barrier_id(%barrier3A_38)
    %mul3A_39 = arith.constant 640 : i32
    %mul3A_40 = arith.muli %arg1, %mul3A_39 : i32
    %mul3A_41 = arith.constant 10240 : i32
    %mul3A_42 = arith.muli %arg0, %mul3A_41 : i32
    %mul3A_43 = arith.constant 640 : i32
    %mul3A_44 = arith.muli %arg1, %mul3A_43 : i32
    %add3A_45 = arith.addi %mul3A_42, %mul3A_44 : i32
    "tpu.region"() ({
      %run_scoped3A = tpu.sem_alloc : memref<!tpu.dma_semaphore, #tpu.memory_space<semaphore_mem>>
      %dma_start3A_46 = arith.constant 0 : i32
      %dma_start3A_47 = tpu.memref_slice %arg7[%add3A_45, %dma_start3A_46] : memref<20480x32xf32, #tpu.memory_space<hbm>> -> memref<640x32xf32, #tpu.memory_space<hbm>>
      %dma_start3A_48 = arith.constant 0 : i32
      %dma_start3A_49 = tpu.memref_slice %arg16[%mul3A_40, %dma_start3A_48] : memref<10240x32xf32, #tpu.memory_space<vmem_shared>> -> memref<640x32xf32, #tpu.memory_space<vmem_shared>>
      tpu.enqueue_dma source(%dma_start3A_49 : memref<640x32xf32, #tpu.memory_space<vmem_shared>>) target(%dma_start3A_47 : memref<640x32xf32, #tpu.memory_space<hbm>>) target_semaphore(%run_scoped3A : memref<!tpu.dma_semaphore, #tpu.memory_space<semaphore_mem>>)
      %dma_wait3A = arith.constant 0 : i32
      %dma_wait3A_50 = tpu.memref_slice %arg7[%add3A_45, %dma_wait3A] : memref<20480x32xf32, #tpu.memory_space<hbm>> -> memref<640x32xf32, #tpu.memory_space<hbm>>
      %dma_wait3A_51 = arith.constant 0 : i32
      %dma_wait3A_52 = tpu.memref_slice %arg16[%mul3A_40, %dma_wait3A_51] : memref<10240x32xf32, #tpu.memory_space<vmem_shared>> -> memref<640x32xf32, #tpu.memory_space<vmem_shared>>
      tpu.wait_dma2 semaphore(%run_scoped3A : memref<!tpu.dma_semaphore, #tpu.memory_space<semaphore_mem>>) src(%dma_wait3A_52 : memref<640x32xf32, #tpu.memory_space<vmem_shared>>) dst(%dma_wait3A_50 : memref<640x32xf32, #tpu.memory_space<hbm>>)
      tpu.yield
    }) : () -> ()
    return
  }
}

module attributes {stable_mosaic.version = 14 : i64} {
  func.func @_ew_body(%arg0: i32, %arg1: memref<2000x128xf32, #tpu.memory_space<vmem>>, %arg2: memref<128x128xf32, #tpu.memory_space<vmem>>, %arg3: memref<1x128xf32, #tpu.memory_space<vmem>>, %arg4: memref<2000x128xf32, #tpu.memory_space<vmem>>) attributes {dimension_semantics = [#tpu.dimension_semantics<arbitrary>], iteration_bounds = array<i64: 10>, scalar_prefetch = 0 : i64, scratch_operands = 0 : i64, tpu.core_type = #tpu.core_type<tc>, window_params = [{transform_indices = @transform_0, window_bounds = array<i64: 2000, 128>}, {pipeline_mode = #tpu.pipeline_mode<synchronous>, transform_indices = @transform_1, window_bounds = array<i64: 128, 128>}, {pipeline_mode = #tpu.pipeline_mode<synchronous>, transform_indices = @transform_2, window_bounds = array<i64: 1, 128>}, {transform_indices = @transform_3, window_bounds = array<i64: 2000, 128>}]} {
    %get3A = arith.constant 0 : index
    %get3A_0 = arith.constant 0 : index
    %get3A_1 = vector.load %arg1[%get3A, %get3A_0] : memref<2000x128xf32, #tpu.memory_space<vmem>>, vector<2000x128xf32>
    %get3A_2 = arith.constant 0 : index
    %get3A_3 = arith.constant 0 : index
    %get3A_4 = vector.load %arg2[%get3A_2, %get3A_3] : memref<128x128xf32, #tpu.memory_space<vmem>>, vector<128x128xf32>
    %dot_general3A = arith.constant dense<0.000000e+00> : vector<2000x128xf32>
    %dot_general3A_5 = tpu.matmul %get3A_1, %get3A_4, %dot_general3A {dimension_numbers = #tpu.dot_dimension_numbers<[1], [0], [0], [1], [0, 0, 1, 1], [], []>, precision = #tpu.contract_precision<fp32>, transpose_lhs_hint = false} : vector<2000x128xf32>, vector<128x128xf32>, vector<2000x128xf32> -> vector<2000x128xf32>
    %get3A_6 = arith.constant 0 : index
    %get3A_7 = arith.constant 0 : index
    %get3A_8 = vector.load %arg3[%get3A_6, %get3A_7] : memref<1x128xf32, #tpu.memory_space<vmem>>, vector<1x128xf32>
    %add3A = vector.broadcast %get3A_8 : vector<1x128xf32> to vector<2000x128xf32>
    %add3A_9 = arith.addf %dot_general3A_5, %add3A : vector<2000x128xf32>
    %swap3A = arith.constant 0 : index
    %swap3A_10 = arith.constant 0 : index
    %swap3A_11 = vector.load %arg4[%swap3A, %swap3A_10] : memref<2000x128xf32, #tpu.memory_space<vmem>>, vector<2000x128xf32>
    tpu.vector_store %arg4[%swap3A, %swap3A_10], %add3A_9 {strides = array<i32>} : memref<2000x128xf32, #tpu.memory_space<vmem>>, vector<2000x128xf32>,
    return
  }
  func.func @transform_0(%arg0: i32) -> (i32, i32) {
    %c0_i32 = arith.constant 0 : i32
    %c0_i32_0 = arith.constant 0 : i32
    return %arg0, %c0_i32 : i32, i32
  }
  func.func @transform_1(%arg0: i32) -> (i32, i32) {
    %c0_i32 = arith.constant 0 : i32
    %c0_i32_0 = arith.constant 0 : i32
    %c0_i32_1 = arith.constant 0 : i32
    return %c0_i32, %c0_i32_0 : i32, i32
  }
  func.func @transform_2(%arg0: i32) -> (i32, i32) {
    %c0_i32 = arith.constant 0 : i32
    %c0_i32_0 = arith.constant 0 : i32
    %c0_i32_1 = arith.constant 0 : i32
    return %c0_i32, %c0_i32_0 : i32, i32
  }
  func.func @transform_3(%arg0: i32) -> (i32, i32) {
    %c0_i32 = arith.constant 0 : i32
    %c0_i32_0 = arith.constant 0 : i32
    return %arg0, %c0_i32 : i32, i32
  }
}

module attributes {stable_mosaic.version = 14 : i64} {
  func.func @_fin_body(%arg0: i32, %arg1: memref<2000x32xf32, #tpu.memory_space<vmem>>, %arg2: memref<2000x32xf32, #tpu.memory_space<vmem>>, %arg3: memref<2000x16xf32, #tpu.memory_space<vmem>>, %arg4: memref<16x16xf32, #tpu.memory_space<vmem>>, %arg5: memref<16x16xf32, #tpu.memory_space<vmem>>, %arg6: memref<2000x16xf32, #tpu.memory_space<vmem>>) attributes {dimension_semantics = [#tpu.dimension_semantics<arbitrary>], iteration_bounds = array<i64: 5>, scalar_prefetch = 0 : i64, scratch_operands = 0 : i64, tpu.core_type = #tpu.core_type<tc>, window_params = [{transform_indices = @transform_0, window_bounds = array<i64: 2000, 32>}, {transform_indices = @transform_1, window_bounds = array<i64: 2000, 32>}, {transform_indices = @transform_2, window_bounds = array<i64: 2000, 16>}, {pipeline_mode = #tpu.pipeline_mode<synchronous>, transform_indices = @transform_3, window_bounds = array<i64: 16, 16>}, {pipeline_mode = #tpu.pipeline_mode<synchronous>, transform_indices = @transform_4, window_bounds = array<i64: 16, 16>}, {transform_indices = @transform_5, window_bounds = array<i64: 2000, 16>}]} {
    %get3A = arith.constant 0 : index
    %get3A_0 = arith.constant 0 : index
    %get3A_1 = vector.load %arg1[%get3A, %get3A_0] : memref<2000x32xf32, #tpu.memory_space<vmem>>, vector<2000x32xf32>
    %get3A_2 = arith.constant 0 : index
    %get3A_3 = arith.constant 0 : index
    %get3A_4 = vector.load %arg2[%get3A_2, %get3A_3] : memref<2000x32xf32, #tpu.memory_space<vmem>>, vector<2000x32xf32>
    %add3A = arith.addf %get3A_1, %get3A_4 : vector<2000x32xf32>
    %slice3A = vector.extract_strided_slice %add3A {offsets = [0, 0], sizes = [2000, 16], strides = [1, 1]} : vector<2000x32xf32> to vector<2000x16xf32>
    %slice3A_5 = vector.extract_strided_slice %add3A {offsets = [0, 16], sizes = [2000, 1], strides = [1, 1]} : vector<2000x32xf32> to vector<2000x1xf32>
    %max3A = arith.constant 1.000000e+00 : f32
    %max3A_6 = vector.broadcast %max3A : f32 to vector<2000x1xf32>
    %max3A_7 = arith.maximumf %slice3A_5, %max3A_6 : vector<2000x1xf32>
    %div3A = vector.broadcast %max3A_7 : vector<2000x1xf32> to vector<2000x16xf32>
    %div3A_8 = arith.divf %slice3A, %div3A : vector<2000x16xf32>
    %get3A_9 = arith.constant 0 : index
    %get3A_10 = arith.constant 0 : index
    %get3A_11 = vector.load %arg3[%get3A_9, %get3A_10] : memref<2000x16xf32, #tpu.memory_space<vmem>>, vector<2000x16xf32>
    %get3A_12 = arith.constant 0 : index
    %get3A_13 = arith.constant 0 : index
    %get3A_14 = vector.load %arg4[%get3A_12, %get3A_13] : memref<16x16xf32, #tpu.memory_space<vmem>>, vector<16x16xf32>
    %dot_general3A = arith.constant dense<0.000000e+00> : vector<2000x16xf32>
    %dot_general3A_15 = tpu.matmul %get3A_11, %get3A_14, %dot_general3A {dimension_numbers = #tpu.dot_dimension_numbers<[1], [0], [0], [1], [0, 0, 1, 1], [], []>, precision = #tpu.contract_precision<fp32>, transpose_lhs_hint = false} : vector<2000x16xf32>, vector<16x16xf32>, vector<2000x16xf32> -> vector<2000x16xf32>
    %get3A_16 = arith.constant 0 : index
    %get3A_17 = arith.constant 0 : index
    %get3A_18 = vector.load %arg5[%get3A_16, %get3A_17] : memref<16x16xf32, #tpu.memory_space<vmem>>, vector<16x16xf32>
    %dot_general3A_19 = arith.constant dense<0.000000e+00> : vector<2000x16xf32>
    %dot_general3A_20 = tpu.matmul %div3A_8, %get3A_18, %dot_general3A_19 {dimension_numbers = #tpu.dot_dimension_numbers<[1], [0], [0], [1], [0, 0, 1, 1], [], []>, precision = #tpu.contract_precision<fp32>, transpose_lhs_hint = false} : vector<2000x16xf32>, vector<16x16xf32>, vector<2000x16xf32> -> vector<2000x16xf32>
    %add3A_21 = arith.addf %dot_general3A_15, %dot_general3A_20 : vector<2000x16xf32>
    %max3A_22 = arith.constant 0.000000e+00 : f32
    %max3A_23 = vector.broadcast %max3A_22 : f32 to vector<2000x16xf32>
    %max3A_24 = arith.maximumf %add3A_21, %max3A_23 : vector<2000x16xf32>
    %swap3A = arith.constant 0 : index
    %swap3A_25 = arith.constant 0 : index
    %swap3A_26 = vector.load %arg6[%swap3A, %swap3A_25] : memref<2000x16xf32, #tpu.memory_space<vmem>>, vector<2000x16xf32>
    tpu.vector_store %arg6[%swap3A, %swap3A_25], %max3A_24 {strides = array<i32>} : memref<2000x16xf32, #tpu.memory_space<vmem>>, vector<2000x16xf32>,
    return
  }
  func.func @transform_0(%arg0: i32) -> (i32, i32) {
    %c0_i32 = arith.constant 0 : i32
    %c0_i32_0 = arith.constant 0 : i32
    return %arg0, %c0_i32 : i32, i32
  }
  func.func @transform_1(%arg0: i32) -> (i32, i32) {
    %c0_i32 = arith.constant 0 : i32
    %c0_i32_0 = arith.constant 0 : i32
    return %arg0, %c0_i32 : i32, i32
  }
  func.func @transform_2(%arg0: i32) -> (i32, i32) {
    %c0_i32 = arith.constant 0 : i32
    %c0_i32_0 = arith.constant 0 : i32
    return %arg0, %c0_i32 : i32, i32
  }
  func.func @transform_3(%arg0: i32) -> (i32, i32) {
    %c0_i32 = arith.constant 0 : i32
    %c0_i32_0 = arith.constant 0 : i32
    %c0_i32_1 = arith.constant 0 : i32
    return %c0_i32, %c0_i32_0 : i32, i32
  }
  func.func @transform_4(%arg0: i32) -> (i32, i32) {
    %c0_i32 = arith.constant 0 : i32
    %c0_i32_0 = arith.constant 0 : i32
    %c0_i32_1 = arith.constant 0 : i32
    return %c0_i32, %c0_i32_0 : i32, i32
  }
  func.func @transform_5(%arg0: i32) -> (i32, i32) {
    %c0_i32 = arith.constant 0 : i32
    %c0_i32_0 = arith.constant 0 : i32
    return %arg0, %c0_i32 : i32, i32
  }
}

</mosaic_0001>

<sc_bundles>
// kernel: kernel.5.cloned.1.call-start
scs
__scs_entry_jumppad:
0x0: {  	(pc) =	sbr.rel $0x88, $3  }
0x1: {  	(tag) =	ssettag $0x0;
	lr =	simm.s32 $0x1  }
0x2: {  	[smem:$0x3F99] =	sst lr;
	_ =	strace $0xD0000000  }
0x3: {  	_ = 	snop  }
0x4: {  	_ = 	snop  }
0x5: {  	_ = 	snop  }
0x6: {  	_ = 	snop  }
0x7: {  	_ = 	snop  }
__scs_overlays_trampoline_lowered:
0x8: {  	[smem:$0x3FA8] =	sst s0  }
0x9: {  	[smem:$0x3FA9] =	sst s1  }
0xa: {  	[smem:$0x3FAA] =	sst s2  }
0xb: {  	[smem:$0x3FAB] =	sst s3  }
0xc: {  	[smem:$0x3FAC] =	sst s4  }
0xd: {  	[smem:$0x3FAD] =	sst s5  }
0xe: {  	[smem:$0x3FAE] =	sst s6  }
0xf: {  	[smem:$0x3FAF] =	sst s7  }
0x10: {  	[smem:$0x3FB0] =	sst s8  }
0x11: {  	[smem:$0x3FB1] =	sst s9;
	s0 =	simm.s32 @!p0 $0x0  }
0x12: {  	s1 =	sld [smem:$0x3F97];
	s0 =	simm.s32 @p0 $0x1  }
0x13: {  	[smem:$0x3FB2] =	sst s0;
	s0 =	simm.s32 @!p1 $0x0  }
0x14: {  	s2 =	sld [smem:$0x3F96];
	s0 =	simm.s32 @p1 $0x1  }
0x15: {  	[smem:$0x3FB3] =	sst s0;
	s0 =	simm.s32 @!p2 $0x0  }
0x16: {  	s3 =	sld [smem:$0x3FDB];
	s0 =	simm.s32 @p2 $0x1  }
0x17: {  	s4 =	simm.s32 $0x1BF5;
	[smem:$0x3FB5] =	sst s0  }
0x18: {  	s0 =	sld [smem:$0x3F98];
	_ =	swait.ge [sflag:s4], $0x0  }
0x19: {  	s7 =	sld [smem:$0x3F99]  }
0x1a: {  	s8 =	sadd.s32 $0xFFFFE003, lr  }
0x1b: {  	s9 =	sadd.s32 $0xFFFFFEF7, lr;
	s5 =	simm.s32 $0xFFFFFFFF;
	p2 =	slt.u32 s8, $0xFFFFF086  }
0x1c: {  	p1 =	slt.u32 s9, $0xF7A;
	s5 =	simm.s32 @!p2 $0x0  }
0x1d: {  	s5 =	simm.s32 @p1 $0x1;
	p0 =	seq.s32 s7, s2  }
0x1e: {  	s7 =	smul.u32 @!p0 $0xF7A, s2;
	p2 =	seq.s32 @!p0 s5, $0x0  }
0x1f: {  	s9 =	smul.u32 $0xF7A, s1;
	s8 =	simm.s32 @!p0 $0x1BF5;
	p2 =	por !p2, p0  }
0x20: {  	[sflag:s8] =	ssyncset.s32 @!p0 $0xFFFFF086;
	s6 =	sadd.s32 @!p0 s3, s7;
	s7 =	simm.s32 @!p0 $0x108  }
0x21: {  	s3 =	sadd.s32 s3, s9;
	s6 =	sadd.s32 @!p0 $0x88, s6;
	s7 =	simm.s32 @p2 $0x1082  }
0x22: {  	[simem:s7], [sflag:s8] =	dma.local @!p0 [hbm:s6], $0xF7A  }
0x23: {  	s9 =	sor.u32 $0xD0000000, s2;
	s6 =	simm.s32 $0x108;
	_ =	swait.ge @!p0 [sflag:s8], $0x0  }
0x24: {  	s3 =	sadd.s32 $0x88, s3;
	s6 =	simm.s32 @!p1 $0x1082;
	[sflag:s4] =	ssyncset.s32 $0xFFFFF086  }
0x25: {  	[simem:s6], [sflag:s4] =	dma.local [hbm:s3], $0xF7A  }
0x26: {  	[smem:$0x3F99] =	sst s1;
	(tag) =	ssettag s2;
	_ =	strace s9  }
0x27: {  	s1 =	sld [smem:$0x3FA9]  }
0x28: {  	s2 =	sld [smem:$0x3FAA]  }
0x29: {  	s4 =	sld [smem:$0x3FAC]  }
0x2a: {  	p0 =	seq.s32 s5, $0x0;
	s5 =	sld [smem:$0x3FAD]  }
0x2b: {  	s6 =	sld [smem:$0x3FAE]  }
0x2c: {  	s7 =	sld [smem:$0x3FAF]  }
0x2d: {  	s3 =	simm.s32 $0x108;
	s8 =	sld [smem:$0x3FB0]  }
0x2e: {  	s3 =	simm.s32 @!p0 $0x1082;
	s9 =	sld [smem:$0x3FB1]  }
0x2f: {  	lr =	sadd.s32 s0, s3;
	s0 =	sld [smem:$0x3FA8]  }
0x30: {  	s3 =	sld [smem:$0x3FAB]  }
0x31: {  	[smem:$0x3FB4] =	sst s10  }
0x32: {  	s10 =	sld [smem:$0x3FB2];
	_ =	sdelay $0x3  }
0x33: {  	p0 =	seq.s32 s10, $0x1;
	s10 =	sld [smem:$0x3FB4];
	_ =	sdelay $0x3  }
0x34: {  	[smem:$0x3FB4] =	sst s10  }
0x35: {  	s10 =	sld [smem:$0x3FB3];
	_ =	sdelay $0x3  }
0x36: {  	p1 =	seq.s32 s10, $0x1;
	s10 =	sld [smem:$0x3FB4];
	_ =	sdelay $0x3  }
0x37: {  	[smem:$0x3FB4] =	sst s10  }
0x38: {  	s10 =	sld [smem:$0x3FB5]  }
0x39: {  	_ = 	snop;
	(pc) =	sbr.ind lr, $3  }
0x3a: {  	_ = 	snop  }
0x3b: {  	_ = 	snop  }
0x3c: {  	p2 =	seq.s32 s10, $0x1;
	s10 =	sld [smem:$0x3FB4]  }
0x3d: {  	_ =	shalt  }
0x3e: {  	_ =	shalt  }
0x3f: {  	_ =	shalt  }
0x40: {  	_ =	shalt  }
0x41: {  	_ =	shalt  }
0x42: {  	_ =	shalt  }
0x43: {  	_ =	shalt  }
0x44: {  	_ =	shalt  }
0x45: {  	_ =	shalt  }
0x46: {  	_ =	shalt  }
0x47: {  	_ =	shalt  }
0x48: {  	_ =	shalt  }
0x49: {  	_ =	shalt  }
0x4a: {  	_ =	shalt  }
0x4b: {  	_ =	shalt  }
0x4c: {  	_ =	shalt  }
0x4d: {  	_ =	shalt  }
0x4e: {  	_ =	shalt  }
0x4f: {  	_ =	shalt  }
0x50: {  	_ =	shalt  }
0x51: {  	_ =	shalt  }
0x52: {  	_ =	shalt  }
0x53: {  	_ =	shalt  }
0x54: {  	_ =	shalt  }
0x55: {  	_ =	shalt  }
0x56: {  	_ =	shalt  }
0x57: {  	_ =	shalt  }
0x58: {  	_ =	shalt  }
0x59: {  	_ =	shalt  }
0x5a: {  	_ =	shalt  }
0x5b: {  	_ =	shalt  }
0x5c: {  	_ =	shalt  }
0x5d: {  	_ =	shalt  }
0x5e: {  	_ =	shalt  }
0x5f: {  	_ =	shalt  }
0x60: {  	_ =	shalt  }
0x61: {  	_ =	shalt  }
0x62: {  	_ =	shalt  }
0x63: {  	_ =	shalt  }
0x64: {  	_ =	shalt  }
0x65: {  	_ =	shalt  }
0x66: {  	_ =	shalt  }
0x67: {  	_ =	shalt  }
0x68: {  	_ =	shalt  }
0x69: {  	_ =	shalt  }
0x6a: {  	_ =	shalt  }
0x6b: {  	_ =	shalt  }
0x6c: {  	_ =	shalt  }
0x6d: {  	_ =	shalt  }
0x6e: {  	_ =	shalt  }
0x6f: {  	_ =	shalt  }
0x70: {  	_ =	shalt  }
0x71: {  	_ =	shalt  }
0x72: {  	_ =	shalt  }
0x73: {  	_ =	shalt  }
0x74: {  	_ =	shalt  }
0x75: {  	_ =	shalt  }
0x76: {  	_ =	shalt  }
0x77: {  	_ =	shalt  }
0x78: {  	_ =	shalt  }
0x79: {  	_ =	shalt  }
0x7a: {  	_ =	shalt  }
0x7b: {  	_ =	shalt  }
0x7c: {  	_ =	shalt  }
0x7d: {  	_ =	shalt  }
0x7e: {  	_ =	shalt  }
0x7f: {  	_ =	shalt  }
0x80: {  	_ =	shalt  }
0x81: {  	_ =	shalt  }
0x82: {  	_ =	shalt  }
0x83: {  	_ =	shalt  }
0x84: {  	_ =	shalt  }
0x85: {  	_ =	shalt  }
0x86: {  	_ =	shalt  }
0x87: {  	_ =	shalt  }
.Lfunc_end0:
.L_simem_size_0:
called_computation_lowered:
.L_overlay_start_0:
0x88: {  	s2 =	sld [smem:$0x3FD9]  }
0x89: {  	s3 =	sld [smem:$0x3FFE];
	_ =	sdelay $0x1  }
0x8a: {  	s1 =	srdreg.scid  }
0x8b: {  	s0 =	sand.u32 $0x1, s1  }
0x8c: {  	s17 =	sshll.u32 s0, $0xA;
	s2 =	sadd.s32 s3, s2  }
0x8d: {  	s2 =	sadd.s32 s2, s17  }
0x8e: {  	[smem:$0x3FC0] =	sst s2  }
0x8f: {  	_ = 	snop  }
0x90: {  	s2 =	sld [smem:$0x3FD0];
	(tm) =	ssettm $0x1  }
0x91: {  	s18 =	sld [smem:$0x3FFB];
	_ =	sdelay $0x3  }
0x92: {  	_ =	strace s18  }
0x93: {  	s3 =	sld [smem:$0x3FFC];
	_ =	sdelay $0x3  }
0x94: {  	_ =	strace s3  }
0x95: {  	s3 =	sld [smem:$0x3FFD];
	_ =	sdelay $0x3  }
0x96: {  	_ =	strace s3  }
0x97: {  	_ =	strace $0x8FFFFFFF  }
0x98: {  	s19 =	sld [smem:$0x3FDB];
	_ =	sdelay $0x1  }
0x99: {  	s4 =	simm.s32 $_scs_section_size  }
0x9a: {  	s5 =	simm.s32 $_size__tile_overlayer_lowered;
	s6 =	simm.s32 $_tile_overlayer_lowered  }
0x9b: {  	s22 =	simm.s32 $0x1BFF;
	s21 =	sshll.u32 s6, $0x1;
	s3 =	sadd.s32 s4, s19  }
0x9c: {  	s7 =	simm.s32 $0x0;
	s20 =	sshll.u32 s5, $0x1;
	s5 =	sadd.s32 s21, s3  }
0x9d: {  	[timem:s7], [sflag:s22] =	dma.local [hbm:s5], s20  }
0x9e: {  	_ =	swait.ge [sflag:s22], s20  }
0x9f: {  	s4 =	ssub.s32 $0x0, s20;
	[sflag:s22] =	ssyncset.done $0x0  }
0xa0: {  	[sflag:s22] =	ssyncadd.s32 s4;
	_ =	sdelay $0x1  }
0xa1: {  	s23 =	simm.s32 $0x1B8B  }
0xa2: {  	_ =	swait.ge [sflag:s23], $0x1  }
0xa3: {  	[sflag:s23] =	ssyncset.done $0x0  }
0xa4: {  	s25 =	simm.s32 $0x1B8E;
	s24 =	sld [smem:$0x3FFE];
	[sflag:s23] =	ssyncadd.s32 $0xFFFFFFFF  }
0xa5: {  	s26 =	simm.s32 $execute0_lowered;
	[smem:$0x3FD2] =	sst s25  }
0xa6: {  	s5 =	sshll.u32 s26, $0x1;
	_ =	strace $0x80000046;
	[dreg:$0x1] =	wrdreg $0xFFFFFFFF  }
0xa7: {  	s28 =	simm.s32 $_size_execute0_lowered;
	s3 =	sadd.s32 s3, s5;
	[dreg:$0x0] =	wrdreg $0x0  }
0xa8: {  	s5 =	sshll.u32 s28, $0x1;
	[dreg:$0x2] =	wrdreg s3  }
0xa9: {  	[dreg:$0x3] =	wrdreg s5  }
0xaa: {  	[dreg:$0x4] =	wrdreg $0xC0  }
0xab: {  	_ =	task [dreg:s7], $0x5FFFF  }
0xac: {  	[dreg:$0x1] =	wrdreg $0xFFFFFFFF  }
0xad: {  	[dreg:$0x0] =	wrdreg $0x60  }
0xae: {  	[dreg:$0x2] =	wrdreg s2  }
0xaf: {  	[dreg:$0x3] =	wrdreg s24  }
0xb0: {  	[dreg:$0x4] =	wrdreg $0xA8000  }
0xb1: {  	[dreg:$0x5] =	wrdreg $0x9  }
0xb2: {  	_ =	task.clear_ibuf [dreg:s7], $0x6FFFF;
	_ =	strace $0x90000046  }
0xb3: {  	s29 =	simm.s32 $0x9;
	_ =	strace $0x80000048  }
0xb4: {  	_ =	swait.ge [sflag:s29], $0x1  }
0xb5: {  	[sflag:s29] =	ssyncadd.s32 $0xFFFFFFFF  }
0xb6: {  	_ =	strace $0x90000048  }
0xb7: {  	_ =	sfence  }
0xb8: {  	s30 =	sld [smem:$0x0];
	_ =	sdelay $0x2  }
0xb9: {  	s31 =	sshll.u32 s1, $0xD;
	s1 =	sshrl.u32 s1, $0x2  }
0xba: {  	s3 =	sand.u32 $0x4000, s31;
	s1 =	sadd.s32 s1, s30  }
0xbb: {  	s0 =	sor.u32 s3, s0;
	s1 =	sshll.u32 s1, $0x11  }
0xbc: {  	s0 =	sor.u32 s1, s0  }
0xbd: {  	s0 =	sadd.s32 $0x8F2B, s0  }
0xbe: {  	[sflag:s0] =	ssyncadd.remote.s32 $0x1  }
0xbf: {  	_ =	sfence.sel $0xFFFF  }
0xc0: {  	[dreg:$0x0] =	wrdreg $0xFFFFFFFF;
	(pc) =	sbr.abs _section_cstart, $3  }
0xc1: {  	[dreg:$0x1] =	wrdreg $0xFFFFFFFF  }
0xc2: {  	_ =	task.clear_ibuf [dreg:s7], $0x2FFFF;
	_ =	strace $0x9FFFFFFF  }
0xc3: {  	(tm) =	ssettm $0x7FFFFFFF  }
tec
execute0_lowered:
.L_overlay_start_1:
0x0: {  	(tag) =	ssettag $0x1  }
0x1: {  	s1 =	rddreg [dreg:$0x0]  }
0x2: {  	s0 =	rddreg [dreg:$0x1];
	s2 =	srdreg.scid  }
0x3: {  	s12 =	stileid.u32;
	s3 =	rddreg [dreg:$0x2];
	s5 =	simm.s32 $0x0  }
0x4: {  	s15 =	simm.s32 $0x5;
	s17 =	simm.s32 $0x100;
	s20 =	simm.s32 $0x3800  }
0x5: {  	s21 =	simm.s32 $0x5800;
	s22 =	simm.s32 $0x1;
	s23 =	simm.s32 $0x3  }
0x6: {  	s28 =	simm.s32 $0x8800;
	s29 =	simm.s32 $0x0;
	s30 =	simm.s32 $0x0  }
0x7: {  	s2 =	sand.u32 $0x1, s2;
	s4 =	sshll.u32 s12, $0x1;
	s8 =	smul.u32 $0xA00, s12  }
0x8: {  	[smem:$0x7FF] =	sst s5;
	s6 =	sadd.s32 $0xA200, s0;
	s11 =	smul.u32 $0x14000, s12  }
0x9: {  	s24 =	sadd.s32 $0x58400, s0;
	s31 =	sshll.u32 s12, $0x6;
	s4 =	sor.u32 s2, s4  }
0xa: {  	_ =	strace $0x80000047;
	s9 =	smul.u32 $0xA000, s2;
	s2 =	ssub.s32 $0x2, s2  }
0xb: {  	[dreg:$0x4] =	wrdreg s24;
	s24 =	simm.s32 $0x6800;
	s5 =	smul.u32 $0x1400, s4  }
0xc: {  	s25 =	sshrl.u32 s2, $0x1;
	s26 =	sshrl.u32 s11, $0x2;
	s4 =	smul.u32 $0x2800, s4  }
0xd: {  	s8 =	sadd.s32 s8, s9;
	s2 =	ssub.s32 s2, s25;
	s14 =	sadd.s32 s26, s3  }
0xe: {  	s25 =	simm.s32 $0x2;
	s26 =	simm.s32 $0x4;
	s7 =	sshrl.u32 s5, $0x3  }
0xf: {  	s11 =	sadd.s32 s6, s4;
	s13 =	smax.u32 s2, $0x1;
	s14 =	sshrl.u32 s14, $0x3  }
0x10: {  	v0 =	vimm.f32 $0.0e+00;
	vm0 =	vcmask $0x300;
	s10 =	sadd.s32 s7, s0;
	s0 =	sadd.s32 s8, s0;
	s8 =	sor.u32 $0x1C05, s31  }
0x11: {  	v0 =	vsel vm0, $0x3F800000, v0;
	s9 =	sadd.s32 $0x200, s10;
	s10 =	sadd.s32 $0x5200, s10;
	s12 =	sadd.s32 $0x58E00, s0  }
.LBB2_1:
0x12: {  	s0 =	rddreg [dreg:$0x4]  }
0x13: {  	[spmem:s14], [sflag:s8] =	dma.local [hbm:s0], $0xA00  }
0x14: {  	_ =	swait.ge [sflag:s15], $0xA00  }
0x15: {  	[sflag:s15] =	ssyncset.done $0x0  }
0x16: {  	s31 =	simm.s32 $0x0;
	[sflag:s15] =	ssyncadd.s32 $0xFFFFF600  }
0x17: {  	[tilespmem:s31], [sflag:$0x5] =	stream.linear.gather [hbm4b:s9+s31], $0x1400, $0x38;
	[tilespmem:$0xF800] =	vst v63  }
0x18: {  	_ =	swait.ge [sflag:s15], $0x1400  }
0x19: {  	[sflag:s15] =	ssyncset.done $0x0  }
0x1a: {  	s2 =	simm.s32 $0x1400;
	[sflag:s15] =	ssyncadd.s32 $0xFFFFEC00  }
0x1b: {  	[tilespmem:s2], [sflag:$0x5] =	stream.linear.gather [hbm4b:s10+s31], $0x1400, $0x38;
	[tilespmem:$0xF800] =	vst v63  }
0x1c: {  	_ =	swait.ge [sflag:s15], $0x1400  }
0x1d: {  	[sflag:s15] =	ssyncset.done $0x0  }
0x1e: {  	s0 =	simm.s32 $0x80;
	s2 =	simm.s32 $0x0;
	[sflag:s15] =	ssyncadd.s32 $0xFFFFEC00  }
.LBB2_2:
0x1f: {  	p0 =	sne.s32 s0, $0x7F80;
	[tilespmem:s2+$0x6810] =	vst v0;
	s4 =	smov.u32 s0;
	s0 =	sadd.s32 $0x80, s0  }
.Ltmp0:
0x20: {  	[tilespmem:s2+$0x8810] =	vst v0;
	(pc) =	sbr.rel @p0 .LBB2_2-.Ltmp0, $2  }
0x21: {  	_ =	sdelay $0x2  }
0x22: {  	s2 =	sshra.s32 s4, $0x2  }
0x23: {  	[tilespmem:s2+$0x6810] =	vst v0  }
0x24: {  	[tilespmem:s2+$0x8810] =	vst v0  }
0x25: {  	s0 =	simm.s32 $0x2800;
	[bflag:$0x0] =	sbarrier.arrive $0xFFFF  }
0x26: {  	[tilespmem:s0], [sflag:$0x1] =	stream.indirect.gather [hbm4b:s1+s17], $0x10, s30, s17, $0xb8;
	[tilespmem:$0xF800] =	vst v63  }
0x27: {  	s19 =	simm.s32 $0x4800;
	s31 =	simm.s32 $0x0  }
0x28: {  	[tilespmem:s19], [sflag:$0x3] =	stream.linear.gather [hbm4b:s11+s30], $0x1000, $0x38;
	[tilespmem:$0xF800] =	vst v63  }
.LBB2_4:
0x29: {  	s0 =	sshll.u32 s31, $0x9  }
0x2a: {  	s2 =	sor.u32 $0x100, s0  }
0x2b: {  	[tilespmem:s20], [sflag:$0x2] =	stream.indirect.gather [hbm4b:s1+s17], $0x10, s2, s17, $0xb8;
	[tilespmem:$0xF800] =	vst v63  }
0x2c: {  	s4 =	sadd.s32 s5, s2  }
0x2d: {  	s16 =	sshll.u32 s4, $0x1  }
0x2e: {  	p0 =	sgt.u32 s4, $0x270FF;
	s4 =	sand.u32 $0x1FFFFE00, s16  }
0x2f: {  	s4 =	simm.s32 @p0 $0x0  }
0x30: {  	s4 =	sadd.s32 s6, s4  }
0x31: {  	[tilespmem:s21], [sflag:$0x4] =	stream.linear.gather [hbm4b:s4+s30], $0x1000, $0x38;
	[tilespmem:$0xF800] =	vst v63  }
0x32: {  	_ =	swait.ge [sflag:s22], $0x1000  }
0x33: {  	[sflag:s22] =	ssyncset.done $0x0  }
0x34: {  	[sflag:s22] =	ssyncadd.s32 $0xFFFFF000  }
0x35: {  	_ =	swait.ge [sflag:s23], $0x1000  }
0x36: {  	[sflag:s23] =	ssyncset.done $0x0  }
0x37: {  	s18 =	simm.s32 $0x0;
	[sflag:s23] =	ssyncadd.s32 $0xFFFFF000  }
0x38: {  	v1 =	vld [tilespmem:s18+$0x2800]  }
0x39: {  	v2 =	vld [tilespmem:s18+$0x4800];
	_ =	sdelay $0x4  }
0x3a: {  	v1 =	vmul.f32 v2, v1  }
0x3b: {  	s16 =	simm.s32 $0x6880  }
0x3c: {  	[tilespmem:s16+$0xFFFFFF80] =	vst v1  }
0x3d: {  	v1 =	vld [tilespmem:s18+$0x2810]  }
0x3e: {  	v2 =	vld [tilespmem:s18+$0x4810];
	_ =	sdelay $0x4  }
0x3f: {  	v1 =	vmul.f32 v2, v1;
	_ =	sdelay $0x1  }
0x40: {  	[tilespmem:s16+$0xFFFFFFA0] =	vst v1  }
0x41: {  	v1 =	vld [tilespmem:s18+$0x2820]  }
0x42: {  	v2 =	vld [tilespmem:s18+$0x4820];
	_ =	sdelay $0x4  }
0x43: {  	v1 =	vmul.f32 v2, v1;
	_ =	sdelay $0x1  }
0x44: {  	[tilespmem:s16+$0xFFFFFFC0] =	vst v1  }
0x45: {  	v1 =	vld [tilespmem:s18+$0x2830]  }
0x46: {  	v2 =	vld [tilespmem:s18+$0x4830];
	_ =	sdelay $0x4  }
0x47: {  	v1 =	vmul.f32 v2, v1;
	_ =	sdelay $0x1  }
0x48: {  	[tilespmem:s16+$0xFFFFFFE0] =	vst v1  }
0x49: {  	v1 =	vld [tilespmem:s18+$0x2840]  }
0x4a: {  	v2 =	vld [tilespmem:s18+$0x4840];
	_ =	sdelay $0x4  }
0x4b: {  	v1 =	vmul.f32 v2, v1;
	_ =	sdelay $0x1  }
0x4c: {  	[tilespmem:s16+$0x0] =	vst v1  }
0x4d: {  	v1 =	vld [tilespmem:s18+$0x2850]  }
0x4e: {  	v2 =	vld [tilespmem:s18+$0x4850];
	_ =	sdelay $0x4  }
0x4f: {  	v1 =	vmul.f32 v2, v1;
	_ =	sdelay $0x1  }
0x50: {  	[tilespmem:s16+$0x20] =	vst v1  }
0x51: {  	v1 =	vld [tilespmem:s18+$0x2860]  }
0x52: {  	v2 =	vld [tilespmem:s18+$0x4860];
	_ =	sdelay $0x4  }
0x53: {  	v1 =	vmul.f32 v2, v1;
	_ =	sdelay $0x1  }
0x54: {  	s19 =	simm.s32 $0x6880;
	s4 =	simm.s32 $0x200;
	[tilespmem:s16+$0x40] =	vst v1  }
.LBB2_5:
0x55: {  	p0 =	sne.s32 s4, $0x3E00  }
0x56: {  	v1 =	vld [tilespmem:s18+$0x2870];
	s16 =	sadd.s32 $0x100, s16;
	s7 =	smov.u32 s4;
	s4 =	sadd.s32 $0x200, s4  }
0x57: {  	v2 =	vld [tilespmem:s18+$0x4870];
	_ =	sdelay $0x4  }
0x58: {  	v1 =	vmul.f32 v2, v1;
	_ =	sdelay $0x1  }
0x59: {  	s18 =	sshra.s32 s7, $0x2;
	[tilespmem:s19+$0x60] =	vst v1;
	s19 =	smov.u32 s16  }
0x5a: {  	v1 =	vld [tilespmem:s18+$0x2800]  }
0x5b: {  	v2 =	vld [tilespmem:s18+$0x4800];
	_ =	sdelay $0x4  }
0x5c: {  	v1 =	vmul.f32 v2, v1;
	_ =	sdelay $0x1  }
0x5d: {  	[tilespmem:s16+$0xFFFFFF80] =	vst v1  }
0x5e: {  	v1 =	vld [tilespmem:s18+$0x2810]  }
0x5f: {  	v2 =	vld [tilespmem:s18+$0x4810];
	_ =	sdelay $0x4  }
0x60: {  	v1 =	vmul.f32 v2, v1;
	_ =	sdelay $0x1  }
0x61: {  	[tilespmem:s16+$0xFFFFFFA0] =	vst v1  }
0x62: {  	v1 =	vld [tilespmem:s18+$0x2820]  }
0x63: {  	v2 =	vld [tilespmem:s18+$0x4820];
	_ =	sdelay $0x4  }
0x64: {  	v1 =	vmul.f32 v2, v1;
	_ =	sdelay $0x1  }
0x65: {  	[tilespmem:s16+$0xFFFFFFC0] =	vst v1  }
0x66: {  	v1 =	vld [tilespmem:s18+$0x2830]  }
0x67: {  	v2 =	vld [tilespmem:s18+$0x4830];
	_ =	sdelay $0x4  }
0x68: {  	v1 =	vmul.f32 v2, v1;
	_ =	sdelay $0x1  }
0x69: {  	[tilespmem:s16+$0xFFFFFFE0] =	vst v1  }
0x6a: {  	v1 =	vld [tilespmem:s18+$0x2840]  }
0x6b: {  	v2 =	vld [tilespmem:s18+$0x4840];
	_ =	sdelay $0x4  }
0x6c: {  	v1 =	vmul.f32 v2, v1;
	_ =	sdelay $0x1  }
0x6d: {  	[tilespmem:s16+$0x0] =	vst v1  }
0x6e: {  	v1 =	vld [tilespmem:s18+$0x2850]  }
0x6f: {  	v2 =	vld [tilespmem:s18+$0x4850];
	_ =	sdelay $0x4  }
0x70: {  	v1 =	vmul.f32 v2, v1;
	_ =	sdelay $0x1  }
0x71: {  	[tilespmem:s16+$0x20] =	vst v1  }
0x72: {  	v1 =	vld [tilespmem:s18+$0x2860]  }
0x73: {  	v2 =	vld [tilespmem:s18+$0x4860];
	_ =	sdelay $0x2  }
.Ltmp1:
0x74: {  	(pc) =	sbr.rel @p0 .LBB2_5-.Ltmp1, $3  }
0x75: {  	_ = 	snop  }
0x76: {  	v1 =	vmul.f32 v2, v1;
	_ =	sdelay $0x1  }
0x77: {  	[tilespmem:s16+$0x40] =	vst v1  }
0x78: {  	v1 =	vld [tilespmem:s18+$0x2870]  }
0x79: {  	v2 =	vld [tilespmem:s18+$0x4870];
	_ =	sdelay $0x4  }
0x7a: {  	v1 =	vmul.f32 v2, v1  }
0x7b: {  	p0 =	seq.s32 s31, $0x9  }
0x7c: {  	s4 =	sadd.s32 @!p0 $0x200, s0;
	s7 =	simm.s32 @!p0 $0x100;
	s16 =	simm.s32 @!p0 $0x2800;
	[tilespmem:s19+$0x60] =	vst v1  }
0x7d: {  	[tilespmem:s16], [sflag:$0x1] =	stream.indirect.gather @!p0 [hbm4b:s1+s7], $0x10, s4, s7, $0xb8;
	[tilespmem:$0xF800] =	vst v63  }
0x7e: {  	s4 =	sadd.s32 @!p0 s5, s4  }
0x7f: {  	p1 =	sgt.u32 @!p0 s4, $0x270FF;
	s4 =	sshll.u32 @!p0 s4, $0x1  }
0x80: {  	s4 =	sand.u32 @!p0 $0x1FFFFC00, s4;
	p1 =	por !p1, p0  }
0x81: {  	s19 =	sand.u32 $0x3FFFFE00, s0;
	s4 =	simm.s32 @!p1 $0x0  }
0x82: {  	s7 =	simm.s32 @!p0 $0x0;
	s16 =	simm.s32 @!p0 $0x4800;
	s4 =	sadd.s32 @!p0 s6, s4  }
0x83: {  	[tilespmem:s16], [sflag:$0x3] =	stream.linear.gather @!p0 [hbm4b:s4+s7], $0x1000, $0x38;
	[tilespmem:$0xF800] =	vst v63  }
0x84: {  	s4 =	sadd.s32 $0x1400, s19  }
0x85: {  	[spmem:s3] =	stream.indirect.scatter.add.f32 [tilespmem:s24], [sflag:$0x5], $0x20, s4, s17, $0xb8;
	[tilespmem:$0xF800] =	vst v63  }
0x86: {  	_ =	swait.ge [sflag:s15], $0x2000  }
0x87: {  	[sflag:s15] =	ssyncset.done $0x0  }
0x88: {  	[sflag:s15] =	ssyncadd.s32 $0xFFFFE000  }
0x89: {  	_ =	swait.ge [sflag:s25], $0x1000  }
0x8a: {  	[sflag:s25] =	ssyncset.done $0x0  }
0x8b: {  	[sflag:s25] =	ssyncadd.s32 $0xFFFFF000  }
0x8c: {  	_ =	swait.ge [sflag:s26], $0x1000  }
0x8d: {  	[sflag:s26] =	ssyncset.done $0x0  }
0x8e: {  	s18 =	simm.s32 $0x0;
	[sflag:s26] =	ssyncadd.s32 $0xFFFFF000  }
0x8f: {  	v1 =	vld [tilespmem:s18+$0x3800]  }
0x90: {  	v2 =	vld [tilespmem:s18+$0x5800];
	_ =	sdelay $0x4  }
0x91: {  	v1 =	vmul.f32 v2, v1  }
0x92: {  	s16 =	simm.s32 $0x8880  }
0x93: {  	[tilespmem:s16+$0xFFFFFF80] =	vst v1  }
0x94: {  	v1 =	vld [tilespmem:s18+$0x3810]  }
0x95: {  	v2 =	vld [tilespmem:s18+$0x5810];
	_ =	sdelay $0x4  }
0x96: {  	v1 =	vmul.f32 v2, v1;
	_ =	sdelay $0x1  }
0x97: {  	[tilespmem:s16+$0xFFFFFFA0] =	vst v1  }
0x98: {  	v1 =	vld [tilespmem:s18+$0x3820]  }
0x99: {  	v2 =	vld [tilespmem:s18+$0x5820];
	_ =	sdelay $0x4  }
0x9a: {  	v1 =	vmul.f32 v2, v1;
	_ =	sdelay $0x1  }
0x9b: {  	[tilespmem:s16+$0xFFFFFFC0] =	vst v1  }
0x9c: {  	v1 =	vld [tilespmem:s18+$0x3830]  }
0x9d: {  	v2 =	vld [tilespmem:s18+$0x5830];
	_ =	sdelay $0x4  }
0x9e: {  	v1 =	vmul.f32 v2, v1;
	_ =	sdelay $0x1  }
0x9f: {  	[tilespmem:s16+$0xFFFFFFE0] =	vst v1  }
0xa0: {  	v1 =	vld [tilespmem:s18+$0x3840]  }
0xa1: {  	v2 =	vld [tilespmem:s18+$0x5840];
	_ =	sdelay $0x4  }
0xa2: {  	v1 =	vmul.f32 v2, v1;
	_ =	sdelay $0x1  }
0xa3: {  	[tilespmem:s16+$0x0] =	vst v1  }
0xa4: {  	v1 =	vld [tilespmem:s18+$0x3850]  }
0xa5: {  	v2 =	vld [tilespmem:s18+$0x5850];
	_ =	sdelay $0x4  }
0xa6: {  	v1 =	vmul.f32 v2, v1;
	_ =	sdelay $0x1  }
0xa7: {  	[tilespmem:s16+$0x20] =	vst v1  }
0xa8: {  	v1 =	vld [tilespmem:s18+$0x3860]  }
0xa9: {  	v2 =	vld [tilespmem:s18+$0x5860];
	_ =	sdelay $0x4  }
0xaa: {  	v1 =	vmul.f32 v2, v1;
	_ =	sdelay $0x1  }
0xab: {  	s19 =	simm.s32 $0x8880;
	s4 =	simm.s32 $0x200;
	[tilespmem:s16+$0x40] =	vst v1  }
.LBB2_7:
0xac: {  	p1 =	sne.s32 s4, $0x3E00  }
0xad: {  	v1 =	vld [tilespmem:s18+$0x3870];
	s16 =	sadd.s32 $0x100, s16;
	s7 =	smov.u32 s4;
	s4 =	sadd.s32 $0x200, s4  }
0xae: {  	v2 =	vld [tilespmem:s18+$0x5870];
	_ =	sdelay $0x4  }
0xaf: {  	v1 =	vmul.f32 v2, v1;
	_ =	sdelay $0x1  }
0xb0: {  	s18 =	sshra.s32 s7, $0x2;
	[tilespmem:s19+$0x60] =	vst v1;
	s19 =	smov.u32 s16  }
0xb1: {  	v1 =	vld [tilespmem:s18+$0x3800]  }
0xb2: {  	v2 =	vld [tilespmem:s18+$0x5800];
	_ =	sdelay $0x4  }
0xb3: {  	v1 =	vmul.f32 v2, v1;
	_ =	sdelay $0x1  }
0xb4: {  	[tilespmem:s16+$0xFFFFFF80] =	vst v1  }
0xb5: {  	v1 =	vld [tilespmem:s18+$0x3810]  }
0xb6: {  	v2 =	vld [tilespmem:s18+$0x5810];
	_ =	sdelay $0x4  }
0xb7: {  	v1 =	vmul.f32 v2, v1;
	_ =	sdelay $0x1  }
0xb8: {  	[tilespmem:s16+$0xFFFFFFA0] =	vst v1  }
0xb9: {  	v1 =	vld [tilespmem:s18+$0x3820]  }
0xba: {  	v2 =	vld [tilespmem:s18+$0x5820];
	_ =	sdelay $0x4  }
0xbb: {  	v1 =	vmul.f32 v2, v1;
	_ =	sdelay $0x1  }
0xbc: {  	[tilespmem:s16+$0xFFFFFFC0] =	vst v1  }
0xbd: {  	v1 =	vld [tilespmem:s18+$0x3830]  }
0xbe: {  	v2 =	vld [tilespmem:s18+$0x5830];
	_ =	sdelay $0x4  }
0xbf: {  	v1 =	vmul.f32 v2, v1;
	_ =	sdelay $0x1  }
0xc0: {  	[tilespmem:s16+$0xFFFFFFE0] =	vst v1  }
0xc1: {  	v1 =	vld [tilespmem:s18+$0x3840]  }
0xc2: {  	v2 =	vld [tilespmem:s18+$0x5840];
	_ =	sdelay $0x4  }
0xc3: {  	v1 =	vmul.f32 v2, v1;
	_ =	sdelay $0x1  }
0xc4: {  	[tilespmem:s16+$0x0] =	vst v1  }
0xc5: {  	v1 =	vld [tilespmem:s18+$0x3850]  }
0xc6: {  	v2 =	vld [tilespmem:s18+$0x5850];
	_ =	sdelay $0x4  }
0xc7: {  	v1 =	vmul.f32 v2, v1;
	_ =	sdelay $0x1  }
0xc8: {  	[tilespmem:s16+$0x20] =	vst v1  }
0xc9: {  	v1 =	vld [tilespmem:s18+$0x3860]  }
0xca: {  	v2 =	vld [tilespmem:s18+$0x5860];
	_ =	sdelay $0x2  }
.Ltmp2:
0xcb: {  	(pc) =	sbr.rel @p1 .LBB2_7-.Ltmp2, $3  }
0xcc: {  	_ = 	snop  }
0xcd: {  	v1 =	vmul.f32 v2, v1;
	_ =	sdelay $0x1  }
0xce: {  	[tilespmem:s16+$0x40] =	vst v1  }
0xcf: {  	v1 =	vld [tilespmem:s18+$0x3870]  }
0xd0: {  	v2 =	vld [tilespmem:s18+$0x5870];
	_ =	sdelay $0x4  }
0xd1: {  	v1 =	vmul.f32 v2, v1;
	_ =	sdelay $0x1  }
0xd2: {  	s0 =	sadd.s32 @!p0 $0x300, s0;
	s4 =	simm.s32 @!p0 $0x100;
	s7 =	simm.s32 @!p0 $0x3800;
	[tilespmem:s19+$0x60] =	vst v1  }
0xd3: {  	[tilespmem:s7], [sflag:$0x2] =	stream.indirect.gather @!p0 [hbm4b:s1+s4], $0x10, s0, s4, $0xb8;
	[tilespmem:$0xF800] =	vst v63  }
0xd4: {  	s0 =	sadd.s32 @!p0 s5, s0  }
0xd5: {  	p1 =	sgt.u32 @!p0 s0, $0x270FF;
	s0 =	sshll.u32 @!p0 s0, $0x1  }
0xd6: {  	s0 =	sand.u32 @!p0 $0x1FFFFE00, s0;
	p1 =	por !p1, p0  }
0xd7: {  	s31 =	sadd.s32 $0x1, s31;
	s0 =	simm.s32 @!p1 $0x0  }
0xd8: {  	s4 =	simm.s32 @!p0 $0x0;
	s7 =	simm.s32 @!p0 $0x5800;
	s0 =	sadd.s32 @!p0 s6, s0  }
0xd9: {  	[tilespmem:s7], [sflag:$0x4] =	stream.linear.gather @!p0 [hbm4b:s0+s4], $0x1000, $0x38;
	[tilespmem:$0xF800] =	vst v63  }
0xda: {  	p0 =	sne.s32 s31, $0xA  }
.Ltmp3:
0xdb: {  	s19 =	sadd.s32 $0x1400, s2;
	(pc) =	sbr.rel @p0 .LBB2_4-.Ltmp3, $4  }
0xdc: {  	[spmem:s3] =	stream.indirect.scatter.add.f32 [tilespmem:s28], [sflag:$0x5], $0x20, s19, s17, $0xb8;
	[tilespmem:$0xF800] =	vst v63  }
0xdd: {  	_ =	swait.ge [sflag:s15], $0x2000  }
0xde: {  	[sflag:s15] =	ssyncset.done $0x0  }
0xdf: {  	[sflag:s15] =	ssyncadd.s32 $0xFFFFE000  }
0xe0: {  	s29 =	sadd.s32 $0x1, s29  }
0xe1: {  	p0 =	sne.s32 s29, s13  }
.Ltmp4:
0xe2: {  	[bflag:$0x0] =	sbarrier.arrive $0xFFFF;
	(pc) =	sbr.rel @p0 .LBB2_1-.Ltmp4, $4  }
0xe3: {  	[hbm:s12], [sflag:s8] =	dma.local [spmem:s14], $0xA00  }
0xe4: {  	_ =	swait.ge [sflag:s15], $0xA00  }
0xe5: {  	[sflag:s15] =	ssyncset.done $0x0  }
0xe6: {  	[sflag:s15] =	ssyncadd.s32 $0xFFFFF600  }
0xe7: {  	_ =	sfence.sel $0x180000  }
0xe8: {  	[bflag:$0x0] =	sbarrier.arrive $0xFFFF  }
0xe9: {  	_ =	strace $0x90000047  }
0xea: {  	s0 =	stileid.u32;
	[bflag:$0x2] =	sbarrier.arrive $0xFFFF  }
0xeb: {  	p0 =	sne.s32 s0, $0x0;
	s0 =	rddreg [dreg:$0x3]  }
0xec: {  	s0 =	sadd.s32 @!p0 $0x100000, s0  }
0xed: {  	[sflag:s0] =	ssyncadd.tile.s32 @!p0 $0x1;
	_ =	shalt  }
.Lfunc_end2:
_tile_overlayer_lowered:
.L_overlay_start_2:
0xee: {  	(tag) =	ssettag $0x2  }
0xef: {  	s0 =	rddreg [dreg:$0x0];
	s2 =	stileid.u32  }
0xf0: {  	s1 =	rddreg [dreg:$0x1];
	p0 =	sne.s32 s2, $0x0  }
0xf1: {  	s3 =	rddreg [dreg:$0x2];
	[bflag:$0x3] =	sbarrier.arrive $0xFFFF;
	s2 =	simm.s32 @!p0 $0x1C05  }
0xf2: {  	[timem:s3], [sflag:s2] =	dma.local @!p0 [hbm:s0], s1  }
0xf3: {  	s0 =	simm.s32 @!p0 $0x5  }
0xf4: {  	_ =	swait.ge @!p0 [sflag:s0], s1  }
0xf5: {  	s1 =	ssub.s32 @!p0 $0x0, s1;
	[sflag:s0] =	ssyncset.done @!p0 $0x0  }
0xf6: {  	[sflag:s0] =	ssyncadd.s32 @!p0 s1  }
0xf7: {  	[bflag:$0x3] =	sbarrier.arrive $0xFFFF  }
0xf8: {  	_ =	shalt  }

</sc_bundles>
